<compile_context>
chip_gen: v7x
topology: tpu7x:2x2x1
jax: 0.10.2.dev20260603
libtpu: 0.0.44.dev20260713+nightly
codegen_flags: <defaults>
</compile_context>

<pallas_src>
import jax
import jax.numpy as jnp
from jax import lax
from jax.experimental import pallas as pl
from jax.experimental.pallas import tpu as pltpu
from jax.experimental.pallas import tpu_sc as plsc

D = 768
DV = D // 16
LN_EPS = 1e-12
NW = 32
RB = 4
UNROLL = 4


def _rsqrt_scalar(var):
    i = lax.bitcast_convert_type(var, jnp.int32)
    i = jnp.int32(0x5F3759DF) - lax.shift_right_arithmetic(i, jnp.int32(1))
    y = lax.bitcast_convert_type(i, jnp.float32)
    half = var * jnp.float32(0.5)
    for _ in range(3):
        y = y * (jnp.float32(1.5) - half * y * y)
    return y


def _make_emb_ln(batch, seq):
    bp_w = batch // NW
    ng = seq
    assert batch % NW == 0 and bp_w % RB == 0

    mesh = plsc.VectorSubcoreMesh(
        core_axis_name="c", subcore_axis_name="s", num_cores=2, num_subcores=16
    )

    def body(ids_hbm, table_hbm, seg_hbm, gamma_hbm, beta_hbm, out_hbm,
             idx_v, bufs, seg_v, gamma_v, beta_v, gsem, wsem, isem):
        wid = lax.axis_index("s") * 2 + lax.axis_index("c")
        wbase = wid * bp_w
        pltpu.sync_copy(seg_hbm, seg_v)
        pltpu.sync_copy(gamma_hbm, gamma_v)
        pltpu.sync_copy(beta_hbm, beta_v)
        for k in range(3):
            pltpu.sync_copy(
                ids_hbm.at[pl.ds(k * batch + wbase, bp_w)],
                idx_v.at[pl.ds(k * bp_w, bp_w)],
            )

        def idx_copy(g, slot):
            return pltpu.make_async_copy(
                ids_hbm.at[pl.ds(g * batch + wbase, bp_w)],
                idx_v.at[pl.ds(slot * bp_w, bp_w)], isem.at[slot],
            )

        def gather_copy(slot, b):
            return pltpu.make_async_copy(
                table_hbm.at[idx_v.at[pl.ds(slot * bp_w, bp_w)]],
                bufs.at[b], gsem.at[b],
            )

        def wb_copy(g, b):
            return pltpu.make_async_copy(
                bufs.at[b], out_hbm.at[g, pl.ds(wbase, bp_w)], wsem.at[b],
            )

        gather_copy(0, 0).start()
        gather_copy(1, 1).start()

        def compute_chunk(b):
            def block(bi, _):
                r0 = bi * RB

                zero = jnp.zeros((16,), jnp.float32)

                @plsc.parallel_loop(0, DV, carry=(zero,) * (2 * RB),
                                    unroll=UNROLL)
                def p1(j, carry):
                    accs = list(carry)
                    sl = pl.ds(j * 16, 16)
                    s = seg_v[sl]
                    for r in range(RB):
                        y = bufs[b, r0 + r, sl] + s
                        bufs[b, r0 + r, sl] = y
                        accs[2 * r] = accs[2 * r] + y
                        accs[2 * r + 1] = accs[2 * r + 1] + y * y
                    return tuple(accs)

                accs = p1

                mvs, ivs = [], []
                for r in range(RB):
                    mean = jnp.sum(accs[2 * r]) * jnp.float32(1.0 / D)
                    var = (jnp.sum(accs[2 * r + 1]) * jnp.float32(1.0 / D)
                           - mean * mean)
                    inv = _rsqrt_scalar(var + jnp.float32(LN_EPS))
                    ivs.append(lax.broadcast(inv, (16,)))
                    mvs.append(lax.broadcast(mean, (16,)))

                @plsc.parallel_loop(0, DV, unroll=UNROLL)
                def p2(j):
                    sl = pl.ds(j * 16, 16)
                    gj = gamma_v[sl]
                    bj = beta_v[sl]
                    for r in range(RB):
                        y = bufs[b, r0 + r, sl]
                        bufs[b, r0 + r, sl] = (y - mvs[r]) * ivs[r] * gj + bj

                return 0

            plsc.parallel_loop(0, bp_w // RB)(lambda bi: (block(bi, 0), None)[1])

        def step(g, _):
            b = lax.rem(g, 3)
            b2 = lax.rem(g + 2, 3)
            gather_copy(b, b).wait()

            @pl.when(g + 3 < ng)
            def _():
                idx_copy(g + 3, b).start()

            compute_chunk(b)
            wb_copy(g, b).start()

            @pl.when(g + 2 < ng)
            def _():
                @pl.when(g >= 1)
                def _():
                    wb_copy(g - 1, b2).wait()
                    idx_copy(g + 2, b2).wait()

                gather_copy(b2, b2).start()

            return 0

        lax.fori_loop(0, ng, step, 0)

        for k in range(3):
            g = ng - 3 + k
            wb_copy(g, g % 3).wait()

    return pl.kernel(
        body,
        out_type=jax.ShapeDtypeStruct((seq, batch, D), jnp.float32),
        mesh=mesh,
        compiler_params=pltpu.CompilerParams(
            needs_layout_passes=False, use_tc_tiling_on_sc=True),
        scratch_types=[
            pltpu.VMEM((3 * bp_w,), jnp.int32),
            pltpu.VMEM((3, bp_w, D), jnp.float32),
            pltpu.VMEM((D,), jnp.float32),
            pltpu.VMEM((D,), jnp.float32),
            pltpu.VMEM((D,), jnp.float32),
            pltpu.SemaphoreType.DMA((3,)),
            pltpu.SemaphoreType.DMA((3,)),
            pltpu.SemaphoreType.DMA((3,)),
        ],
    )


def kernel(input_ids, word_table, segment_table, ln_gamma, ln_beta):
    b, s = input_ids.shape
    ids_sm = input_ids.astype(jnp.int32).T.reshape(s * b)
    out = _make_emb_ln(b, s)(
        ids_sm, word_table, segment_table[0], ln_gamma, ln_beta
    )
    return out.transpose(1, 0, 2), jnp.zeros_like(input_ids)

# --- scband reference (transcript-rebuilt; emitter-appended) ---
"""Pipeline reference for scband-embeddings-16836271800940 (READ-ONLY COPY).

The authoritative reference and input builder live on the scoring server;
editing this copy changes nothing except your own understanding.
"""

import jax, jax.numpy as jnp
import numpy as np

VOCAB_SIZE = 30522
EMBED_SIZE = 768
TOKEN_TYPE_VOCAB = 2
BATCH = 1024
SEQ = 50
LN_EPS = 1e-12


def setup_inputs(seed: int = 0) -> dict:
    key = jax.random.key(seed)
    k1, k2, k3 = jax.random.split(key, 3)
    input_ids = jax.random.randint(k1, (BATCH, SEQ), 0, VOCAB_SIZE).astype(jnp.int64 if jax.config.jax_enable_x64 else jnp.int32)
    word_table = jax.random.truncated_normal(k2, -2.0, 2.0, (VOCAB_SIZE, EMBED_SIZE), dtype=jnp.float32) * 0.02
    segment_table = jax.random.truncated_normal(k3, -2.0, 2.0, (TOKEN_TYPE_VOCAB, EMBED_SIZE), dtype=jnp.float32) * 0.02
    ln_gamma = jnp.ones((EMBED_SIZE,), dtype=jnp.float32)
    ln_beta = jnp.zeros((EMBED_SIZE,), dtype=jnp.float32)
    return {
        "input_ids": input_ids,
        "word_table": word_table,
        "segment_table": segment_table,
        "ln_gamma": ln_gamma,
        "ln_beta": ln_beta,
    }


def _layer_norm(x, gamma, beta, eps=LN_EPS):
    mean = jnp.mean(x, axis=-1, keepdims=True)
    var = jnp.mean(jnp.square(x - mean), axis=-1, keepdims=True)
    normed = (x - mean) / jnp.sqrt(var + eps)
    return normed * gamma + beta


def reference(input_ids, word_table, segment_table, ln_gamma, ln_beta):
    # segment_ids defaults to zeros_like(input_ids) when not provided
    segment_ids = jnp.zeros_like(input_ids)
    # embedding lookups (gather)
    word_embeddings = jnp.take(word_table, input_ids, axis=0)
    segment_embeddings = jnp.take(segment_table, segment_ids, axis=0)
    results = word_embeddings + segment_embeddings
    results = _layer_norm(results, ln_gamma, ln_beta)
    # dropout is identity at inference
    return (results, segment_ids)

if __name__ == "__main__":
    import jax
    _d = setup_inputs()
    print(jax.jit(kernel)(*tuple(_d.values())))

</pallas_src>

<mosaic_0001>
#map = affine_map<(d0, d1) -> (0)>
#map1 = affine_map<(d0, d1) -> (0, 0)>
#map2 = affine_map<(d0, d1) -> (0, 0, 0)>
module attributes {stable_mosaic.version = 14 : i64} {
  func.func @body(%arg0: i32, %arg1: i32, %arg2: memref<51200xi32, #tpu.memory_space<hbm>>, %arg3: memref<30522x768xf32, #tpu.memory_space<hbm>>, %arg4: memref<768xf32, #tpu.memory_space<hbm>>, %arg5: memref<768xf32, #tpu.memory_space<hbm>>, %arg6: memref<768xf32, #tpu.memory_space<hbm>>, %arg7: memref<50x1024x768xf32, #tpu.memory_space<hbm>>, %arg8: memref<96xi32, #tpu.memory_space<vmem>>, %arg9: memref<3x32x768xf32, #tpu.memory_space<vmem>>, %arg10: memref<768xf32, #tpu.memory_space<vmem>>, %arg11: memref<768xf32, #tpu.memory_space<vmem>>, %arg12: memref<768xf32, #tpu.memory_space<vmem>>, %arg13: memref<3x!tpu.dma_semaphore, #tpu.memory_space<semaphore_mem>>, %arg14: memref<3x!tpu.dma_semaphore, #tpu.memory_space<semaphore_mem>>, %arg15: memref<3x!tpu.dma_semaphore, #tpu.memory_space<semaphore_mem>>) attributes {dimension_semantics = [#tpu.dimension_semantics<core_parallel>, #tpu.dimension_semantics<subcore_parallel>], iteration_bounds = array<i64: 2, 16>, scalar_prefetch = 0 : i64, scratch_operands = 8 : i64, tpu.core_type = #tpu.core_type<sc_vector_subcore>, window_params = [{transform_indices = #map}, {transform_indices = #map1}, {transform_indices = #map}, {transform_indices = #map}, {transform_indices = #map}, {transform_indices = #map2}]} {
    %mul3A = arith.constant 2 : i32
    %mul3A_0 = arith.muli %arg1, %mul3A : i32
    %add3A = arith.addi %mul3A_0, %arg0 : i32
    %mul3A_1 = arith.constant 32 : i32
    %mul3A_2 = arith.muli %add3A, %mul3A_1 : i32
    "tpu.region"() ({
      %run_scoped3A = tpu.sem_alloc : memref<!tpu.dma_semaphore, #tpu.memory_space<semaphore_mem>>
      tpu.enqueue_dma source(%arg4 : memref<768xf32, #tpu.memory_space<hbm>>) target(%arg10 : memref<768xf32, #tpu.memory_space<vmem>>) target_semaphore(%run_scoped3A : memref<!tpu.dma_semaphore, #tpu.memory_space<semaphore_mem>>)
      tpu.wait_dma2 semaphore(%run_scoped3A : memref<!tpu.dma_semaphore, #tpu.memory_space<semaphore_mem>>) src(%arg4 : memref<768xf32, #tpu.memory_space<hbm>>) dst(%arg10 : memref<768xf32, #tpu.memory_space<vmem>>)
      tpu.yield
    }) : () -> ()
    "tpu.region"() ({
      %run_scoped3A = tpu.sem_alloc : memref<!tpu.dma_semaphore, #tpu.memory_space<semaphore_mem>>
      tpu.enqueue_dma source(%arg5 : memref<768xf32, #tpu.memory_space<hbm>>) target(%arg11 : memref<768xf32, #tpu.memory_space<vmem>>) target_semaphore(%run_scoped3A : memref<!tpu.dma_semaphore, #tpu.memory_space<semaphore_mem>>)
      tpu.wait_dma2 semaphore(%run_scoped3A : memref<!tpu.dma_semaphore, #tpu.memory_space<semaphore_mem>>) src(%arg5 : memref<768xf32, #tpu.memory_space<hbm>>) dst(%arg11 : memref<768xf32, #tpu.memory_space<vmem>>)
      tpu.yield
    }) : () -> ()
    "tpu.region"() ({
      %run_scoped3A = tpu.sem_alloc : memref<!tpu.dma_semaphore, #tpu.memory_space<semaphore_mem>>
      tpu.enqueue_dma source(%arg6 : memref<768xf32, #tpu.memory_space<hbm>>) target(%arg12 : memref<768xf32, #tpu.memory_space<vmem>>) target_semaphore(%run_scoped3A : memref<!tpu.dma_semaphore, #tpu.memory_space<semaphore_mem>>)
      tpu.wait_dma2 semaphore(%run_scoped3A : memref<!tpu.dma_semaphore, #tpu.memory_space<semaphore_mem>>) src(%arg6 : memref<768xf32, #tpu.memory_space<hbm>>) dst(%arg12 : memref<768xf32, #tpu.memory_space<vmem>>)
      tpu.yield
    }) : () -> ()
    %add3A_3 = arith.constant 0 : i32
    %add3A_4 = arith.addi %add3A_3, %mul3A_2 : i32
    "tpu.region"() ({
      %run_scoped3A = tpu.sem_alloc : memref<!tpu.dma_semaphore, #tpu.memory_space<semaphore_mem>>
      %dma_start3A_96 = arith.constant 0 : i32
      %dma_start3A_97 = tpu.memref_slice %arg8[%dma_start3A_96] : memref<96xi32, #tpu.memory_space<vmem>> -> memref<32xi32, #tpu.memory_space<vmem>>
      %dma_start3A_98 = tpu.memref_slice %arg2[%add3A_4] : memref<51200xi32, #tpu.memory_space<hbm>> -> memref<32xi32, #tpu.memory_space<hbm>>
      %dma_start3A_99 = arith.constant 0 : i32
      %dma_start3A_100 = tpu.memref_slice %arg8[%dma_start3A_99] : memref<96xi32, #tpu.memory_space<vmem>> -> memref<32xi32, #tpu.memory_space<vmem>>
      %dma_start3A_101 = tpu.memref_slice %arg2[%add3A_4] : memref<51200xi32, #tpu.memory_space<hbm>> -> memref<32xi32, #tpu.memory_space<hbm>>
      tpu.enqueue_dma source(%dma_start3A_101 : memref<32xi32, #tpu.memory_space<hbm>>) target(%dma_start3A_100 : memref<32xi32, #tpu.memory_space<vmem>>) target_semaphore(%run_scoped3A : memref<!tpu.dma_semaphore, #tpu.memory_space<semaphore_mem>>)
      %dma_wait3A_102 = arith.constant 0 : i32
      %dma_wait3A_103 = tpu.memref_slice %arg8[%dma_wait3A_102] : memref<96xi32, #tpu.memory_space<vmem>> -> memref<32xi32, #tpu.memory_space<vmem>>
      %dma_wait3A_104 = tpu.memref_slice %arg2[%add3A_4] : memref<51200xi32, #tpu.memory_space<hbm>> -> memref<32xi32, #tpu.memory_space<hbm>>
      %dma_wait3A_105 = arith.constant 0 : i32
      %dma_wait3A_106 = tpu.memref_slice %arg8[%dma_wait3A_105] : memref<96xi32, #tpu.memory_space<vmem>> -> memref<32xi32, #tpu.memory_space<vmem>>
      %dma_wait3A_107 = tpu.memref_slice %arg2[%add3A_4] : memref<51200xi32, #tpu.memory_space<hbm>> -> memref<32xi32, #tpu.memory_space<hbm>>
      tpu.wait_dma2 semaphore(%run_scoped3A : memref<!tpu.dma_semaphore, #tpu.memory_space<semaphore_mem>>) src(%dma_wait3A_107 : memref<32xi32, #tpu.memory_space<hbm>>) dst(%dma_wait3A_106 : memref<32xi32, #tpu.memory_space<vmem>>)
      tpu.yield
    }) : () -> ()
    %add3A_5 = arith.constant 1024 : i32
    %add3A_6 = arith.addi %add3A_5, %mul3A_2 : i32
    "tpu.region"() ({
      %run_scoped3A = tpu.sem_alloc : memref<!tpu.dma_semaphore, #tpu.memory_space<semaphore_mem>>
      %dma_start3A_96 = arith.constant 32 : i32
      %dma_start3A_97 = tpu.memref_slice %arg8[%dma_start3A_96] : memref<96xi32, #tpu.memory_space<vmem>> -> memref<32xi32, #tpu.memory_space<vmem>>
      %dma_start3A_98 = tpu.memref_slice %arg2[%add3A_6] : memref<51200xi32, #tpu.memory_space<hbm>> -> memref<32xi32, #tpu.memory_space<hbm>>
      %dma_start3A_99 = arith.constant 32 : i32
      %dma_start3A_100 = tpu.memref_slice %arg8[%dma_start3A_99] : memref<96xi32, #tpu.memory_space<vmem>> -> memref<32xi32, #tpu.memory_space<vmem>>
      %dma_start3A_101 = tpu.memref_slice %arg2[%add3A_6] : memref<51200xi32, #tpu.memory_space<hbm>> -> memref<32xi32, #tpu.memory_space<hbm>>
      tpu.enqueue_dma source(%dma_start3A_101 : memref<32xi32, #tpu.memory_space<hbm>>) target(%dma_start3A_100 : memref<32xi32, #tpu.memory_space<vmem>>) target_semaphore(%run_scoped3A : memref<!tpu.dma_semaphore, #tpu.memory_space<semaphore_mem>>)
      %dma_wait3A_102 = arith.constant 32 : i32
      %dma_wait3A_103 = tpu.memref_slice %arg8[%dma_wait3A_102] : memref<96xi32, #tpu.memory_space<vmem>> -> memref<32xi32, #tpu.memory_space<vmem>>
      %dma_wait3A_104 = tpu.memref_slice %arg2[%add3A_6] : memref<51200xi32, #tpu.memory_space<hbm>> -> memref<32xi32, #tpu.memory_space<hbm>>
      %dma_wait3A_105 = arith.constant 32 : i32
      %dma_wait3A_106 = tpu.memref_slice %arg8[%dma_wait3A_105] : memref<96xi32, #tpu.memory_space<vmem>> -> memref<32xi32, #tpu.memory_space<vmem>>
      %dma_wait3A_107 = tpu.memref_slice %arg2[%add3A_6] : memref<51200xi32, #tpu.memory_space<hbm>> -> memref<32xi32, #tpu.memory_space<hbm>>
      tpu.wait_dma2 semaphore(%run_scoped3A : memref<!tpu.dma_semaphore, #tpu.memory_space<semaphore_mem>>) src(%dma_wait3A_107 : memref<32xi32, #tpu.memory_space<hbm>>) dst(%dma_wait3A_106 : memref<32xi32, #tpu.memory_space<vmem>>)
      tpu.yield
    }) : () -> ()
    %add3A_7 = arith.constant 2048 : i32
    %add3A_8 = arith.addi %add3A_7, %mul3A_2 : i32
    "tpu.region"() ({
      %run_scoped3A = tpu.sem_alloc : memref<!tpu.dma_semaphore, #tpu.memory_space<semaphore_mem>>
      %dma_start3A_96 = arith.constant 64 : i32
      %dma_start3A_97 = tpu.memref_slice %arg8[%dma_start3A_96] : memref<96xi32, #tpu.memory_space<vmem>> -> memref<32xi32, #tpu.memory_space<vmem>>
      %dma_start3A_98 = tpu.memref_slice %arg2[%add3A_8] : memref<51200xi32, #tpu.memory_space<hbm>> -> memref<32xi32, #tpu.memory_space<hbm>>
      %dma_start3A_99 = arith.constant 64 : i32
      %dma_start3A_100 = tpu.memref_slice %arg8[%dma_start3A_99] : memref<96xi32, #tpu.memory_space<vmem>> -> memref<32xi32, #tpu.memory_space<vmem>>
      %dma_start3A_101 = tpu.memref_slice %arg2[%add3A_8] : memref<51200xi32, #tpu.memory_space<hbm>> -> memref<32xi32, #tpu.memory_space<hbm>>
      tpu.enqueue_dma source(%dma_start3A_101 : memref<32xi32, #tpu.memory_space<hbm>>) target(%dma_start3A_100 : memref<32xi32, #tpu.memory_space<vmem>>) target_semaphore(%run_scoped3A : memref<!tpu.dma_semaphore, #tpu.memory_space<semaphore_mem>>)
      %dma_wait3A_102 = arith.constant 64 : i32
      %dma_wait3A_103 = tpu.memref_slice %arg8[%dma_wait3A_102] : memref<96xi32, #tpu.memory_space<vmem>> -> memref<32xi32, #tpu.memory_space<vmem>>
      %dma_wait3A_104 = tpu.memref_slice %arg2[%add3A_8] : memref<51200xi32, #tpu.memory_space<hbm>> -> memref<32xi32, #tpu.memory_space<hbm>>
      %dma_wait3A_105 = arith.constant 64 : i32
      %dma_wait3A_106 = tpu.memref_slice %arg8[%dma_wait3A_105] : memref<96xi32, #tpu.memory_space<vmem>> -> memref<32xi32, #tpu.memory_space<vmem>>
      %dma_wait3A_107 = tpu.memref_slice %arg2[%add3A_8] : memref<51200xi32, #tpu.memory_space<hbm>> -> memref<32xi32, #tpu.memory_space<hbm>>
      tpu.wait_dma2 semaphore(%run_scoped3A : memref<!tpu.dma_semaphore, #tpu.memory_space<semaphore_mem>>) src(%dma_wait3A_107 : memref<32xi32, #tpu.memory_space<hbm>>) dst(%dma_wait3A_106 : memref<32xi32, #tpu.memory_space<vmem>>)
      tpu.yield
    }) : () -> ()
    %dma_start3A = arith.constant 0 : i32
    %dma_start3A_9 = arith.constant 0 : i32
    %dma_start3A_10 = arith.constant 0 : i32
    %dma_start3A_11 = arith.constant 0 : i32
    %dma_start3A_12 = tpu.memref_slice %arg9[%dma_start3A, %dma_start3A_10, %dma_start3A_11] : memref<3x32x768xf32, #tpu.memory_space<vmem>> -> memref<1x32x768xf32, #tpu.memory_space<vmem>>
    %dma_start3A_13 = tpu.memref_squeeze %dma_start3A_12 : memref<1x32x768xf32, #tpu.memory_space<vmem>> -> memref<32x768xf32, #tpu.memory_space<vmem>>
    %dma_start3A_14 = arith.constant 0 : i32
    %dma_start3A_15 = tpu.memref_slice %arg8[%dma_start3A_14] : memref<96xi32, #tpu.memory_space<vmem>> -> memref<32xi32, #tpu.memory_space<vmem>>
    %dma_start3A_16 = arith.constant 0 : i32
    %dma_start3A_17 = arith.constant 0 : i32
    %dma_start3A_18 = tpu.memref_slice %arg3[%dma_start3A_16, %dma_start3A_17] : memref<30522x768xf32, #tpu.memory_space<hbm>> -> memref<30522x768xf32, #tpu.memory_space<hbm>>
    %dma_start3A_19 = tpu.memref_slice %arg13[%dma_start3A_9] : memref<3x!tpu.dma_semaphore, #tpu.memory_space<semaphore_mem>> -> memref<1x!tpu.dma_semaphore, #tpu.memory_space<semaphore_mem>>
    %dma_start3A_20 = tpu.memref_squeeze %dma_start3A_19 : memref<1x!tpu.dma_semaphore, #tpu.memory_space<semaphore_mem>> -> memref<!tpu.dma_semaphore, #tpu.memory_space<semaphore_mem>>
    tpu.enqueue_indirect_dma source(%dma_start3A_18 : memref<30522x768xf32, #tpu.memory_space<hbm>>) target(%dma_start3A_13 : memref<32x768xf32, #tpu.memory_space<vmem>>) offsets(%dma_start3A_15 : memref<32xi32, #tpu.memory_space<vmem>>) semaphore(%dma_start3A_20 : memref<!tpu.dma_semaphore, #tpu.memory_space<semaphore_mem>>)
    %dma_start3A_21 = arith.constant 1 : i32
    %dma_start3A_22 = arith.constant 1 : i32
    %dma_start3A_23 = arith.constant 0 : i32
    %dma_start3A_24 = arith.constant 0 : i32
    %dma_start3A_25 = tpu.memref_slice %arg9[%dma_start3A_21, %dma_start3A_23, %dma_start3A_24] : memref<3x32x768xf32, #tpu.memory_space<vmem>> -> memref<1x32x768xf32, #tpu.memory_space<vmem>>
    %dma_start3A_26 = tpu.memref_squeeze %dma_start3A_25 : memref<1x32x768xf32, #tpu.memory_space<vmem>> -> memref<32x768xf32, #tpu.memory_space<vmem>>
    %dma_start3A_27 = arith.constant 32 : i32
    %dma_start3A_28 = tpu.memref_slice %arg8[%dma_start3A_27] : memref<96xi32, #tpu.memory_space<vmem>> -> memref<32xi32, #tpu.memory_space<vmem>>
    %dma_start3A_29 = arith.constant 0 : i32
    %dma_start3A_30 = arith.constant 0 : i32
    %dma_start3A_31 = tpu.memref_slice %arg3[%dma_start3A_29, %dma_start3A_30] : memref<30522x768xf32, #tpu.memory_space<hbm>> -> memref<30522x768xf32, #tpu.memory_space<hbm>>
    %dma_start3A_32 = tpu.memref_slice %arg13[%dma_start3A_22] : memref<3x!tpu.dma_semaphore, #tpu.memory_space<semaphore_mem>> -> memref<1x!tpu.dma_semaphore, #tpu.memory_space<semaphore_mem>>
    %dma_start3A_33 = tpu.memref_squeeze %dma_start3A_32 : memref<1x!tpu.dma_semaphore, #tpu.memory_space<semaphore_mem>> -> memref<!tpu.dma_semaphore, #tpu.memory_space<semaphore_mem>>
    tpu.enqueue_indirect_dma source(%dma_start3A_31 : memref<30522x768xf32, #tpu.memory_space<hbm>>) target(%dma_start3A_26 : memref<32x768xf32, #tpu.memory_space<vmem>>) offsets(%dma_start3A_28 : memref<32xi32, #tpu.memory_space<vmem>>) semaphore(%dma_start3A_33 : memref<!tpu.dma_semaphore, #tpu.memory_space<semaphore_mem>>)
    %scan3A = arith.constant 0 : i32
    %scan3A_34 = arith.constant 0 : i32
    %scan3A_35 = arith.constant 50 : i32
    %scan3A_36 = arith.addi %scan3A_34, %scan3A_35 : i32
    %scan3A_37 = arith.constant 1 : i32
    %scan3A_38 = scf.for %scan3A_96 = %scan3A_34 to %scan3A_36 step %scan3A_37 iter_args(%scan3A_97 = %scan3A) -> (i32)  : i32 {
      %rem3A = arith.constant 3 : i32
      %rem3A_98 = arith.remsi %scan3A_96, %rem3A : i32
      %add3A_99 = arith.constant 2 : i32
      %add3A_100 = arith.addi %scan3A_96, %add3A_99 : i32
      %rem3A_101 = arith.constant 3 : i32
      %rem3A_102 = arith.remsi %add3A_100, %rem3A_101 : i32
      %mul3A_103 = arith.constant 32 : i32
      %mul3A_104 = arith.muli %rem3A_98, %mul3A_103 : i32
      %dma_wait3A_105 = arith.constant 0 : i32
      %dma_wait3A_106 = arith.constant 0 : i32
      %dma_wait3A_107 = tpu.memref_slice %arg9[%rem3A_98, %dma_wait3A_105, %dma_wait3A_106] : memref<3x32x768xf32, #tpu.memory_space<vmem>> -> memref<1x32x768xf32, #tpu.memory_space<vmem>>
      %dma_wait3A_108 = tpu.memref_squeeze %dma_wait3A_107 : memref<1x32x768xf32, #tpu.memory_space<vmem>> -> memref<32x768xf32, #tpu.memory_space<vmem>>
      %dma_wait3A_109 = tpu.memref_slice %arg8[%mul3A_104] : memref<96xi32, #tpu.memory_space<vmem>> -> memref<32xi32, #tpu.memory_space<vmem>>
      %dma_wait3A_110 = arith.constant 0 : i32
      %dma_wait3A_111 = arith.constant 0 : i32
      %dma_wait3A_112 = tpu.memref_slice %arg3[%dma_wait3A_110, %dma_wait3A_111] : memref<30522x768xf32, #tpu.memory_space<hbm>> -> memref<30522x768xf32, #tpu.memory_space<hbm>>
      %dma_wait3A_113 = tpu.memref_slice %arg13[%rem3A_98] : memref<3x!tpu.dma_semaphore, #tpu.memory_space<semaphore_mem>> -> memref<1x!tpu.dma_semaphore, #tpu.memory_space<semaphore_mem>>
      %dma_wait3A_114 = tpu.memref_squeeze %dma_wait3A_113 : memref<1x!tpu.dma_semaphore, #tpu.memory_space<semaphore_mem>> -> memref<!tpu.dma_semaphore, #tpu.memory_space<semaphore_mem>>
      tpu.wait_indirect_dma semaphore(%dma_wait3A_114 : memref<!tpu.dma_semaphore, #tpu.memory_space<semaphore_mem>>) src(%dma_wait3A_112 : memref<30522x768xf32, #tpu.memory_space<hbm>>) dst(%dma_wait3A_108 : memref<32x768xf32, #tpu.memory_space<vmem>>)
      %add3A_115 = arith.constant 3 : i32
      %add3A_116 = arith.addi %scan3A_96, %add3A_115 : i32
      %lt3A = arith.constant 50 : i32
      %lt3A_117 = arith.cmpi slt, %add3A_116, %lt3A : i32
      %convert_element_type3A = arith.extui %lt3A_117 : i1 to i32
      %cond3A = arith.constant 0 : i32
      %cond3A_118 = arith.cmpi ne, %convert_element_type3A, %cond3A : i32
      scf.if %cond3A_118 {
        %add3A_145 = arith.constant 3 : i32
        %add3A_146 = arith.addi %scan3A_96, %add3A_145 : i32
        %mul3A_147 = arith.constant 1024 : i32
        %mul3A_148 = arith.muli %add3A_146, %mul3A_147 : i32
        %add3A_149 = arith.addi %mul3A_148, %mul3A_2 : i32
        %mul3A_150 = arith.constant 32 : i32
        %mul3A_151 = arith.muli %rem3A_98, %mul3A_150 : i32
        %dma_start3A_152 = tpu.memref_slice %arg8[%mul3A_151] : memref<96xi32, #tpu.memory_space<vmem>> -> memref<32xi32, #tpu.memory_space<vmem>>
        %dma_start3A_153 = tpu.memref_slice %arg2[%add3A_149] : memref<51200xi32, #tpu.memory_space<hbm>> -> memref<32xi32, #tpu.memory_space<hbm>>
        %dma_start3A_154 = tpu.memref_slice %arg15[%rem3A_98] : memref<3x!tpu.dma_semaphore, #tpu.memory_space<semaphore_mem>> -> memref<1x!tpu.dma_semaphore, #tpu.memory_space<semaphore_mem>>
        %dma_start3A_155 = tpu.memref_squeeze %dma_start3A_154 : memref<1x!tpu.dma_semaphore, #tpu.memory_space<semaphore_mem>> -> memref<!tpu.dma_semaphore, #tpu.memory_space<semaphore_mem>>
        %dma_start3A_156 = tpu.memref_slice %arg8[%mul3A_151] : memref<96xi32, #tpu.memory_space<vmem>> -> memref<32xi32, #tpu.memory_space<vmem>>
        %dma_start3A_157 = tpu.memref_slice %arg2[%add3A_149] : memref<51200xi32, #tpu.memory_space<hbm>> -> memref<32xi32, #tpu.memory_space<hbm>>
        tpu.enqueue_dma source(%dma_start3A_157 : memref<32xi32, #tpu.memory_space<hbm>>) target(%dma_start3A_156 : memref<32xi32, #tpu.memory_space<vmem>>) target_semaphore(%dma_start3A_155 : memref<!tpu.dma_semaphore, #tpu.memory_space<semaphore_mem>>)
      } else {
      }
      %parallel_loop3A = arith.constant 0 : i32
      %parallel_loop3A_119 = arith.constant 8 : i32
      %parallel_loop3A_120 = arith.constant 1 : i32
      scf.for %parallel_loop3A_145 = %parallel_loop3A to %parallel_loop3A_119 step %parallel_loop3A_120  : i32 {
        %parallel_loop3A_146 = arith.constant 4 : i32
        %parallel_loop3A_147 = arith.muli %parallel_loop3A_145, %parallel_loop3A_146 : i32
        %parallel_loop3A_148 = arith.constant 0.000000e+00 : f32
        %parallel_loop3A_149 = vector.broadcast %parallel_loop3A_148 : f32 to vector<16xf32>
        %parallel_loop3A_150 = arith.constant 0 : i32
        %parallel_loop3A_151 = arith.constant 48 : i32
        %parallel_loop3A_152 = arith.constant 1 : i32
        %parallel_loop3A_153:8 = scf.for %parallel_loop3A_321 = %parallel_loop3A_150 to %parallel_loop3A_151 step %parallel_loop3A_152 iter_args(%parallel_loop3A_322 = %parallel_loop3A_149, %parallel_loop3A_323 = %parallel_loop3A_149, %parallel_loop3A_324 = %parallel_loop3A_149, %parallel_loop3A_325 = %parallel_loop3A_149, %parallel_loop3A_326 = %parallel_loop3A_149, %parallel_loop3A_327 = %parallel_loop3A_149, %parallel_loop3A_328 = %parallel_loop3A_149, %parallel_loop3A_329 = %parallel_loop3A_149) -> (vector<16xf32>, vector<16xf32>, vector<16xf32>, vector<16xf32>, vector<16xf32>, vector<16xf32>, vector<16xf32>, vector<16xf32>)  : i32 {
          %parallel_loop3A_330 = arith.constant 16 : i32
          %parallel_loop3A_331 = arith.muli %parallel_loop3A_321, %parallel_loop3A_330 : i32
          %parallel_loop3A_332 = arith.index_cast %parallel_loop3A_331 : i32 to index
          %parallel_loop3A_333 = tpu.vector_load %arg10[%parallel_loop3A_332] {strides = array<i32>} : memref<768xf32, #tpu.memory_space<vmem>>, vector<16xf32>,
          %parallel_loop3A_334 = arith.constant 0 : i32
          %parallel_loop3A_335 = arith.addi %parallel_loop3A_147, %parallel_loop3A_334 : i32
          %parallel_loop3A_336 = arith.index_cast %rem3A_98 : i32 to index
          %parallel_loop3A_337 = arith.index_cast %parallel_loop3A_335 : i32 to index
          %parallel_loop3A_338 = arith.index_cast %parallel_loop3A_331 : i32 to index
          %parallel_loop3A_339 = tpu.vector_load %arg9[%parallel_loop3A_336, %parallel_loop3A_337, %parallel_loop3A_338] {strides = array<i32>} : memref<3x32x768xf32, #tpu.memory_space<vmem>>, vector<16xf32>,
          %parallel_loop3A_340 = arith.addf %parallel_loop3A_339, %parallel_loop3A_333 : vector<16xf32>
          %parallel_loop3A_341 = arith.constant 0 : i32
          %parallel_loop3A_342 = arith.addi %parallel_loop3A_147, %parallel_loop3A_341 : i32
          %parallel_loop3A_343 = arith.index_cast %rem3A_98 : i32 to index
          %parallel_loop3A_344 = arith.index_cast %parallel_loop3A_342 : i32 to index
          %parallel_loop3A_345 = arith.index_cast %parallel_loop3A_331 : i32 to index
          %parallel_loop3A_346 = tpu.vector_load %arg9[%parallel_loop3A_343, %parallel_loop3A_344, %parallel_loop3A_345] {strides = array<i32>} : memref<3x32x768xf32, #tpu.memory_space<vmem>>, vector<16xf32>,
          tpu.vector_store %arg9[%parallel_loop3A_343, %parallel_loop3A_344, %parallel_loop3A_345], %parallel_loop3A_340 {strides = array<i32>} : memref<3x32x768xf32, #tpu.memory_space<vmem>>, vector<16xf32>,
          %parallel_loop3A_347 = arith.addf %parallel_loop3A_322, %parallel_loop3A_340 : vector<16xf32>
          %parallel_loop3A_348 = arith.mulf %parallel_loop3A_340, %parallel_loop3A_340 : vector<16xf32>
          %parallel_loop3A_349 = arith.addf %parallel_loop3A_323, %parallel_loop3A_348 : vector<16xf32>
          %parallel_loop3A_350 = arith.constant 1 : i32
          %parallel_loop3A_351 = arith.addi %parallel_loop3A_147, %parallel_loop3A_350 : i32
          %parallel_loop3A_352 = arith.index_cast %rem3A_98 : i32 to index
          %parallel_loop3A_353 = arith.index_cast %parallel_loop3A_351 : i32 to index
          %parallel_loop3A_354 = arith.index_cast %parallel_loop3A_331 : i32 to index
          %parallel_loop3A_355 = tpu.vector_load %arg9[%parallel_loop3A_352, %parallel_loop3A_353, %parallel_loop3A_354] {strides = array<i32>} : memref<3x32x768xf32, #tpu.memory_space<vmem>>, vector<16xf32>,
          %parallel_loop3A_356 = arith.addf %parallel_loop3A_355, %parallel_loop3A_333 : vector<16xf32>
          %parallel_loop3A_357 = arith.constant 1 : i32
          %parallel_loop3A_358 = arith.addi %parallel_loop3A_147, %parallel_loop3A_357 : i32
          %parallel_loop3A_359 = arith.index_cast %rem3A_98 : i32 to index
          %parallel_loop3A_360 = arith.index_cast %parallel_loop3A_358 : i32 to index
          %parallel_loop3A_361 = arith.index_cast %parallel_loop3A_331 : i32 to index
          %parallel_loop3A_362 = tpu.vector_load %arg9[%parallel_loop3A_359, %parallel_loop3A_360, %parallel_loop3A_361] {strides = array<i32>} : memref<3x32x768xf32, #tpu.memory_space<vmem>>, vector<16xf32>,
          tpu.vector_store %arg9[%parallel_loop3A_359, %parallel_loop3A_360, %parallel_loop3A_361], %parallel_loop3A_356 {strides = array<i32>} : memref<3x32x768xf32, #tpu.memory_space<vmem>>, vector<16xf32>,
          %parallel_loop3A_363 = arith.addf %parallel_loop3A_324, %parallel_loop3A_356 : vector<16xf32>
          %parallel_loop3A_364 = arith.mulf %parallel_loop3A_356, %parallel_loop3A_356 : vector<16xf32>
          %parallel_loop3A_365 = arith.addf %parallel_loop3A_325, %parallel_loop3A_364 : vector<16xf32>
          %parallel_loop3A_366 = arith.constant 2 : i32
          %parallel_loop3A_367 = arith.addi %parallel_loop3A_147, %parallel_loop3A_366 : i32
          %parallel_loop3A_368 = arith.index_cast %rem3A_98 : i32 to index
          %parallel_loop3A_369 = arith.index_cast %parallel_loop3A_367 : i32 to index
          %parallel_loop3A_370 = arith.index_cast %parallel_loop3A_331 : i32 to index
          %parallel_loop3A_371 = tpu.vector_load %arg9[%parallel_loop3A_368, %parallel_loop3A_369, %parallel_loop3A_370] {strides = array<i32>} : memref<3x32x768xf32, #tpu.memory_space<vmem>>, vector<16xf32>,
          %parallel_loop3A_372 = arith.addf %parallel_loop3A_371, %parallel_loop3A_333 : vector<16xf32>
          %parallel_loop3A_373 = arith.constant 2 : i32
          %parallel_loop3A_374 = arith.addi %parallel_loop3A_147, %parallel_loop3A_373 : i32
          %parallel_loop3A_375 = arith.index_cast %rem3A_98 : i32 to index
          %parallel_loop3A_376 = arith.index_cast %parallel_loop3A_374 : i32 to index
          %parallel_loop3A_377 = arith.index_cast %parallel_loop3A_331 : i32 to index
          %parallel_loop3A_378 = tpu.vector_load %arg9[%parallel_loop3A_375, %parallel_loop3A_376, %parallel_loop3A_377] {strides = array<i32>} : memref<3x32x768xf32, #tpu.memory_space<vmem>>, vector<16xf32>,
          tpu.vector_store %arg9[%parallel_loop3A_375, %parallel_loop3A_376, %parallel_loop3A_377], %parallel_loop3A_372 {strides = array<i32>} : memref<3x32x768xf32, #tpu.memory_space<vmem>>, vector<16xf32>,
          %parallel_loop3A_379 = arith.addf %parallel_loop3A_326, %parallel_loop3A_372 : vector<16xf32>
          %parallel_loop3A_380 = arith.mulf %parallel_loop3A_372, %parallel_loop3A_372 : vector<16xf32>
          %parallel_loop3A_381 = arith.addf %parallel_loop3A_327, %parallel_loop3A_380 : vector<16xf32>
          %parallel_loop3A_382 = arith.constant 3 : i32
          %parallel_loop3A_383 = arith.addi %parallel_loop3A_147, %parallel_loop3A_382 : i32
          %parallel_loop3A_384 = arith.index_cast %rem3A_98 : i32 to index
          %parallel_loop3A_385 = arith.index_cast %parallel_loop3A_383 : i32 to index
          %parallel_loop3A_386 = arith.index_cast %parallel_loop3A_331 : i32 to index
          %parallel_loop3A_387 = tpu.vector_load %arg9[%parallel_loop3A_384, %parallel_loop3A_385, %parallel_loop3A_386] {strides = array<i32>} : memref<3x32x768xf32, #tpu.memory_space<vmem>>, vector<16xf32>,
          %parallel_loop3A_388 = arith.addf %parallel_loop3A_387, %parallel_loop3A_333 : vector<16xf32>
          %parallel_loop3A_389 = arith.constant 3 : i32
          %parallel_loop3A_390 = arith.addi %parallel_loop3A_147, %parallel_loop3A_389 : i32
          %parallel_loop3A_391 = arith.index_cast %rem3A_98 : i32 to index
          %parallel_loop3A_392 = arith.index_cast %parallel_loop3A_390 : i32 to index
          %parallel_loop3A_393 = arith.index_cast %parallel_loop3A_331 : i32 to index
          %parallel_loop3A_394 = tpu.vector_load %arg9[%parallel_loop3A_391, %parallel_loop3A_392, %parallel_loop3A_393] {strides = array<i32>} : memref<3x32x768xf32, #tpu.memory_space<vmem>>, vector<16xf32>,
          tpu.vector_store %arg9[%parallel_loop3A_391, %parallel_loop3A_392, %parallel_loop3A_393], %parallel_loop3A_388 {strides = array<i32>} : memref<3x32x768xf32, #tpu.memory_space<vmem>>, vector<16xf32>,
          %parallel_loop3A_395 = arith.addf %parallel_loop3A_328, %parallel_loop3A_388 : vector<16xf32>
          %parallel_loop3A_396 = arith.mulf %parallel_loop3A_388, %parallel_loop3A_388 : vector<16xf32>
          %parallel_loop3A_397 = arith.addf %parallel_loop3A_329, %parallel_loop3A_396 : vector<16xf32>
          scf.yield %parallel_loop3A_347, %parallel_loop3A_349, %parallel_loop3A_363, %parallel_loop3A_365, %parallel_loop3A_379, %parallel_loop3A_381, %parallel_loop3A_395, %parallel_loop3A_397 : vector<16xf32>, vector<16xf32>, vector<16xf32>, vector<16xf32>, vector<16xf32>, vector<16xf32>, vector<16xf32>, vector<16xf32>
        } {sc.loop_unroll_factor = 4 : i64, sc.parallel_access}
        %parallel_loop3A_154 = arith.constant true
        %parallel_loop3A_155 = vector.broadcast %parallel_loop3A_154 : i1 to vector<16xi1>
        %parallel_loop3A_156 = tpu.scan <sum>, %parallel_loop3A_153#0 masked %parallel_loop3A_155 : vector<16xf32>, vector<16xi1> -> vector<16xf32>
        %parallel_loop3A_157 = vector.extract %parallel_loop3A_156[15] : f32 from vector<16xf32>
        %parallel_loop3A_158 = arith.constant 0.00130208337 : f32
        %parallel_loop3A_159 = arith.mulf %parallel_loop3A_157, %parallel_loop3A_158 : f32
        %parallel_loop3A_160 = arith.constant true
        %parallel_loop3A_161 = vector.broadcast %parallel_loop3A_160 : i1 to vector<16xi1>
        %parallel_loop3A_162 = tpu.scan <sum>, %parallel_loop3A_153#1 masked %parallel_loop3A_161 : vector<16xf32>, vector<16xi1> -> vector<16xf32>
        %parallel_loop3A_163 = vector.extract %parallel_loop3A_162[15] : f32 from vector<16xf32>
        %parallel_loop3A_164 = arith.constant 0.00130208337 : f32
        %parallel_loop3A_165 = arith.mulf %parallel_loop3A_163, %parallel_loop3A_164 : f32
        %parallel_loop3A_166 = arith.mulf %parallel_loop3A_159, %parallel_loop3A_159 : f32
        %parallel_loop3A_167 = arith.subf %parallel_loop3A_165, %parallel_loop3A_166 : f32
        %parallel_loop3A_168 = arith.constant 9.99999996E-13 : f32
        %parallel_loop3A_169 = arith.addf %parallel_loop3A_167, %parallel_loop3A_168 : f32
        %parallel_loop3A_170 = arith.bitcast %parallel_loop3A_169 : f32 to i32
        %parallel_loop3A_171 = arith.constant 1 : i32
        %parallel_loop3A_172 = arith.shrsi %parallel_loop3A_170, %parallel_loop3A_171 : i32
        %parallel_loop3A_173 = arith.constant 1597463007 : i32
        %parallel_loop3A_174 = arith.subi %parallel_loop3A_173, %parallel_loop3A_172 : i32
        %parallel_loop3A_175 = arith.bitcast %parallel_loop3A_174 : i32 to f32
        %parallel_loop3A_176 = arith.constant 5.000000e-01 : f32
        %parallel_loop3A_177 = arith.mulf %parallel_loop3A_169, %parallel_loop3A_176 : f32
        %parallel_loop3A_178 = arith.mulf %parallel_loop3A_177, %parallel_loop3A_175 : f32
        %parallel_loop3A_179 = arith.mulf %parallel_loop3A_178, %parallel_loop3A_175 : f32
        %parallel_loop3A_180 = arith.constant 1.500000e+00 : f32
        %parallel_loop3A_181 = arith.subf %parallel_loop3A_180, %parallel_loop3A_179 : f32
        %parallel_loop3A_182 = arith.mulf %parallel_loop3A_175, %parallel_loop3A_181 : f32
        %parallel_loop3A_183 = arith.mulf %parallel_loop3A_177, %parallel_loop3A_182 : f32
        %parallel_loop3A_184 = arith.mulf %parallel_loop3A_183, %parallel_loop3A_182 : f32
        %parallel_loop3A_185 = arith.constant 1.500000e+00 : f32
        %parallel_loop3A_186 = arith.subf %parallel_loop3A_185, %parallel_loop3A_184 : f32
        %parallel_loop3A_187 = arith.mulf %parallel_loop3A_182, %parallel_loop3A_186 : f32
        %parallel_loop3A_188 = arith.mulf %parallel_loop3A_177, %parallel_loop3A_187 : f32
        %parallel_loop3A_189 = arith.mulf %parallel_loop3A_188, %parallel_loop3A_187 : f32
        %parallel_loop3A_190 = arith.constant 1.500000e+00 : f32
        %parallel_loop3A_191 = arith.subf %parallel_loop3A_190, %parallel_loop3A_189 : f32
        %parallel_loop3A_192 = arith.mulf %parallel_loop3A_187, %parallel_loop3A_191 : f32
        %parallel_loop3A_193 = vector.broadcast %parallel_loop3A_192 : f32 to vector<16xf32>
        %parallel_loop3A_194 = vector.broadcast %parallel_loop3A_159 : f32 to vector<16xf32>
        %parallel_loop3A_195 = arith.constant true
        %parallel_loop3A_196 = vector.broadcast %parallel_loop3A_195 : i1 to vector<16xi1>
        %parallel_loop3A_197 = tpu.scan <sum>, %parallel_loop3A_153#2 masked %parallel_loop3A_196 : vector<16xf32>, vector<16xi1> -> vector<16xf32>
        %parallel_loop3A_198 = vector.extract %parallel_loop3A_197[15] : f32 from vector<16xf32>
        %parallel_loop3A_199 = arith.constant 0.00130208337 : f32
        %parallel_loop3A_200 = arith.mulf %parallel_loop3A_198, %parallel_loop3A_199 : f32
        %parallel_loop3A_201 = arith.constant true
        %parallel_loop3A_202 = vector.broadcast %parallel_loop3A_201 : i1 to vector<16xi1>
        %parallel_loop3A_203 = tpu.scan <sum>, %parallel_loop3A_153#3 masked %parallel_loop3A_202 : vector<16xf32>, vector<16xi1> -> vector<16xf32>
        %parallel_loop3A_204 = vector.extract %parallel_loop3A_203[15] : f32 from vector<16xf32>
        %parallel_loop3A_205 = arith.constant 0.00130208337 : f32
        %parallel_loop3A_206 = arith.mulf %parallel_loop3A_204, %parallel_loop3A_205 : f32
        %parallel_loop3A_207 = arith.mulf %parallel_loop3A_200, %parallel_loop3A_200 : f32
        %parallel_loop3A_208 = arith.subf %parallel_loop3A_206, %parallel_loop3A_207 : f32
        %parallel_loop3A_209 = arith.constant 9.99999996E-13 : f32
        %parallel_loop3A_210 = arith.addf %parallel_loop3A_208, %parallel_loop3A_209 : f32
        %parallel_loop3A_211 = arith.bitcast %parallel_loop3A_210 : f32 to i32
        %parallel_loop3A_212 = arith.constant 1 : i32
        %parallel_loop3A_213 = arith.shrsi %parallel_loop3A_211, %parallel_loop3A_212 : i32
        %parallel_loop3A_214 = arith.constant 1597463007 : i32
        %parallel_loop3A_215 = arith.subi %parallel_loop3A_214, %parallel_loop3A_213 : i32
        %parallel_loop3A_216 = arith.bitcast %parallel_loop3A_215 : i32 to f32
        %parallel_loop3A_217 = arith.constant 5.000000e-01 : f32
        %parallel_loop3A_218 = arith.mulf %parallel_loop3A_210, %parallel_loop3A_217 : f32
        %parallel_loop3A_219 = arith.mulf %parallel_loop3A_218, %parallel_loop3A_216 : f32
        %parallel_loop3A_220 = arith.mulf %parallel_loop3A_219, %parallel_loop3A_216 : f32
        %parallel_loop3A_221 = arith.constant 1.500000e+00 : f32
        %parallel_loop3A_222 = arith.subf %parallel_loop3A_221, %parallel_loop3A_220 : f32
        %parallel_loop3A_223 = arith.mulf %parallel_loop3A_216, %parallel_loop3A_222 : f32
        %parallel_loop3A_224 = arith.mulf %parallel_loop3A_218, %parallel_loop3A_223 : f32
        %parallel_loop3A_225 = arith.mulf %parallel_loop3A_224, %parallel_loop3A_223 : f32
        %parallel_loop3A_226 = arith.constant 1.500000e+00 : f32
        %parallel_loop3A_227 = arith.subf %parallel_loop3A_226, %parallel_loop3A_225 : f32
        %parallel_loop3A_228 = arith.mulf %parallel_loop3A_223, %parallel_loop3A_227 : f32
        %parallel_loop3A_229 = arith.mulf %parallel_loop3A_218, %parallel_loop3A_228 : f32
        %parallel_loop3A_230 = arith.mulf %parallel_loop3A_229, %parallel_loop3A_228 : f32
        %parallel_loop3A_231 = arith.constant 1.500000e+00 : f32
        %parallel_loop3A_232 = arith.subf %parallel_loop3A_231, %parallel_loop3A_230 : f32
        %parallel_loop3A_233 = arith.mulf %parallel_loop3A_228, %parallel_loop3A_232 : f32
        %parallel_loop3A_234 = vector.broadcast %parallel_loop3A_233 : f32 to vector<16xf32>
        %parallel_loop3A_235 = vector.broadcast %parallel_loop3A_200 : f32 to vector<16xf32>
        %parallel_loop3A_236 = arith.constant true
        %parallel_loop3A_237 = vector.broadcast %parallel_loop3A_236 : i1 to vector<16xi1>
        %parallel_loop3A_238 = tpu.scan <sum>, %parallel_loop3A_153#4 masked %parallel_loop3A_237 : vector<16xf32>, vector<16xi1> -> vector<16xf32>
        %parallel_loop3A_239 = vector.extract %parallel_loop3A_238[15] : f32 from vector<16xf32>
        %parallel_loop3A_240 = arith.constant 0.00130208337 : f32
        %parallel_loop3A_241 = arith.mulf %parallel_loop3A_239, %parallel_loop3A_240 : f32
        %parallel_loop3A_242 = arith.constant true
        %parallel_loop3A_243 = vector.broadcast %parallel_loop3A_242 : i1 to vector<16xi1>
        %parallel_loop3A_244 = tpu.scan <sum>, %parallel_loop3A_153#5 masked %parallel_loop3A_243 : vector<16xf32>, vector<16xi1> -> vector<16xf32>
        %parallel_loop3A_245 = vector.extract %parallel_loop3A_244[15] : f32 from vector<16xf32>
        %parallel_loop3A_246 = arith.constant 0.00130208337 : f32
        %parallel_loop3A_247 = arith.mulf %parallel_loop3A_245, %parallel_loop3A_246 : f32
        %parallel_loop3A_248 = arith.mulf %parallel_loop3A_241, %parallel_loop3A_241 : f32
        %parallel_loop3A_249 = arith.subf %parallel_loop3A_247, %parallel_loop3A_248 : f32
        %parallel_loop3A_250 = arith.constant 9.99999996E-13 : f32
        %parallel_loop3A_251 = arith.addf %parallel_loop3A_249, %parallel_loop3A_250 : f32
        %parallel_loop3A_252 = arith.bitcast %parallel_loop3A_251 : f32 to i32
        %parallel_loop3A_253 = arith.constant 1 : i32
        %parallel_loop3A_254 = arith.shrsi %parallel_loop3A_252, %parallel_loop3A_253 : i32
        %parallel_loop3A_255 = arith.constant 1597463007 : i32
        %parallel_loop3A_256 = arith.subi %parallel_loop3A_255, %parallel_loop3A_254 : i32
        %parallel_loop3A_257 = arith.bitcast %parallel_loop3A_256 : i32 to f32
        %parallel_loop3A_258 = arith.constant 5.000000e-01 : f32
        %parallel_loop3A_259 = arith.mulf %parallel_loop3A_251, %parallel_loop3A_258 : f32
        %parallel_loop3A_260 = arith.mulf %parallel_loop3A_259, %parallel_loop3A_257 : f32
        %parallel_loop3A_261 = arith.mulf %parallel_loop3A_260, %parallel_loop3A_257 : f32
        %parallel_loop3A_262 = arith.constant 1.500000e+00 : f32
        %parallel_loop3A_263 = arith.subf %parallel_loop3A_262, %parallel_loop3A_261 : f32
        %parallel_loop3A_264 = arith.mulf %parallel_loop3A_257, %parallel_loop3A_263 : f32
        %parallel_loop3A_265 = arith.mulf %parallel_loop3A_259, %parallel_loop3A_264 : f32
        %parallel_loop3A_266 = arith.mulf %parallel_loop3A_265, %parallel_loop3A_264 : f32
        %parallel_loop3A_267 = arith.constant 1.500000e+00 : f32
        %parallel_loop3A_268 = arith.subf %parallel_loop3A_267, %parallel_loop3A_266 : f32
        %parallel_loop3A_269 = arith.mulf %parallel_loop3A_264, %parallel_loop3A_268 : f32
        %parallel_loop3A_270 = arith.mulf %parallel_loop3A_259, %parallel_loop3A_269 : f32
        %parallel_loop3A_271 = arith.mulf %parallel_loop3A_270, %parallel_loop3A_269 : f32
        %parallel_loop3A_272 = arith.constant 1.500000e+00 : f32
        %parallel_loop3A_273 = arith.subf %parallel_loop3A_272, %parallel_loop3A_271 : f32
        %parallel_loop3A_274 = arith.mulf %parallel_loop3A_269, %parallel_loop3A_273 : f32
        %parallel_loop3A_275 = vector.broadcast %parallel_loop3A_274 : f32 to vector<16xf32>
        %parallel_loop3A_276 = vector.broadcast %parallel_loop3A_241 : f32 to vector<16xf32>
        %parallel_loop3A_277 = arith.constant true
        %parallel_loop3A_278 = vector.broadcast %parallel_loop3A_277 : i1 to vector<16xi1>
        %parallel_loop3A_279 = tpu.scan <sum>, %parallel_loop3A_153#6 masked %parallel_loop3A_278 : vector<16xf32>, vector<16xi1> -> vector<16xf32>
        %parallel_loop3A_280 = vector.extract %parallel_loop3A_279[15] : f32 from vector<16xf32>
        %parallel_loop3A_281 = arith.constant 0.00130208337 : f32
        %parallel_loop3A_282 = arith.mulf %parallel_loop3A_280, %parallel_loop3A_281 : f32
        %parallel_loop3A_283 = arith.constant true
        %parallel_loop3A_284 = vector.broadcast %parallel_loop3A_283 : i1 to vector<16xi1>
        %parallel_loop3A_285 = tpu.scan <sum>, %parallel_loop3A_153#7 masked %parallel_loop3A_284 : vector<16xf32>, vector<16xi1> -> vector<16xf32>
        %parallel_loop3A_286 = vector.extract %parallel_loop3A_285[15] : f32 from vector<16xf32>
        %parallel_loop3A_287 = arith.constant 0.00130208337 : f32
        %parallel_loop3A_288 = arith.mulf %parallel_loop3A_286, %parallel_loop3A_287 : f32
        %parallel_loop3A_289 = arith.mulf %parallel_loop3A_282, %parallel_loop3A_282 : f32
        %parallel_loop3A_290 = arith.subf %parallel_loop3A_288, %parallel_loop3A_289 : f32
        %parallel_loop3A_291 = arith.constant 9.99999996E-13 : f32
        %parallel_loop3A_292 = arith.addf %parallel_loop3A_290, %parallel_loop3A_291 : f32
        %parallel_loop3A_293 = arith.bitcast %parallel_loop3A_292 : f32 to i32
        %parallel_loop3A_294 = arith.constant 1 : i32
        %parallel_loop3A_295 = arith.shrsi %parallel_loop3A_293, %parallel_loop3A_294 : i32
        %parallel_loop3A_296 = arith.constant 1597463007 : i32
        %parallel_loop3A_297 = arith.subi %parallel_loop3A_296, %parallel_loop3A_295 : i32
        %parallel_loop3A_298 = arith.bitcast %parallel_loop3A_297 : i32 to f32
        %parallel_loop3A_299 = arith.constant 5.000000e-01 : f32
        %parallel_loop3A_300 = arith.mulf %parallel_loop3A_292, %parallel_loop3A_299 : f32
        %parallel_loop3A_301 = arith.mulf %parallel_loop3A_300, %parallel_loop3A_298 : f32
        %parallel_loop3A_302 = arith.mulf %parallel_loop3A_301, %parallel_loop3A_298 : f32
        %parallel_loop3A_303 = arith.constant 1.500000e+00 : f32
        %parallel_loop3A_304 = arith.subf %parallel_loop3A_303, %parallel_loop3A_302 : f32
        %parallel_loop3A_305 = arith.mulf %parallel_loop3A_298, %parallel_loop3A_304 : f32
        %parallel_loop3A_306 = arith.mulf %parallel_loop3A_300, %parallel_loop3A_305 : f32
        %parallel_loop3A_307 = arith.mulf %parallel_loop3A_306, %parallel_loop3A_305 : f32
        %parallel_loop3A_308 = arith.constant 1.500000e+00 : f32
        %parallel_loop3A_309 = arith.subf %parallel_loop3A_308, %parallel_loop3A_307 : f32
        %parallel_loop3A_310 = arith.mulf %parallel_loop3A_305, %parallel_loop3A_309 : f32
        %parallel_loop3A_311 = arith.mulf %parallel_loop3A_300, %parallel_loop3A_310 : f32
        %parallel_loop3A_312 = arith.mulf %parallel_loop3A_311, %parallel_loop3A_310 : f32
        %parallel_loop3A_313 = arith.constant 1.500000e+00 : f32
        %parallel_loop3A_314 = arith.subf %parallel_loop3A_313, %parallel_loop3A_312 : f32
        %parallel_loop3A_315 = arith.mulf %parallel_loop3A_310, %parallel_loop3A_314 : f32
        %parallel_loop3A_316 = vector.broadcast %parallel_loop3A_315 : f32 to vector<16xf32>
        %parallel_loop3A_317 = vector.broadcast %parallel_loop3A_282 : f32 to vector<16xf32>
        %parallel_loop3A_318 = arith.constant 0 : i32
        %parallel_loop3A_319 = arith.constant 48 : i32
        %parallel_loop3A_320 = arith.constant 1 : i32
        scf.for %parallel_loop3A_321 = %parallel_loop3A_318 to %parallel_loop3A_319 step %parallel_loop3A_320  : i32 {
          %parallel_loop3A_322 = arith.constant 16 : i32
          %parallel_loop3A_323 = arith.muli %parallel_loop3A_321, %parallel_loop3A_322 : i32
          %parallel_loop3A_324 = arith.index_cast %parallel_loop3A_323 : i32 to index
          %parallel_loop3A_325 = tpu.vector_load %arg11[%parallel_loop3A_324] {strides = array<i32>} : memref<768xf32, #tpu.memory_space<vmem>>, vector<16xf32>,
          %parallel_loop3A_326 = arith.index_cast %parallel_loop3A_323 : i32 to index
          %parallel_loop3A_327 = tpu.vector_load %arg12[%parallel_loop3A_326] {strides = array<i32>} : memref<768xf32, #tpu.memory_space<vmem>>, vector<16xf32>,
          %parallel_loop3A_328 = arith.constant 0 : i32
          %parallel_loop3A_329 = arith.addi %parallel_loop3A_147, %parallel_loop3A_328 : i32
          %parallel_loop3A_330 = arith.index_cast %rem3A_98 : i32 to index
          %parallel_loop3A_331 = arith.index_cast %parallel_loop3A_329 : i32 to index
          %parallel_loop3A_332 = arith.index_cast %parallel_loop3A_323 : i32 to index
          %parallel_loop3A_333 = tpu.vector_load %arg9[%parallel_loop3A_330, %parallel_loop3A_331, %parallel_loop3A_332] {strides = array<i32>} : memref<3x32x768xf32, #tpu.memory_space<vmem>>, vector<16xf32>,
          %parallel_loop3A_334 = arith.subf %parallel_loop3A_333, %parallel_loop3A_194 : vector<16xf32>
          %parallel_loop3A_335 = arith.mulf %parallel_loop3A_334, %parallel_loop3A_193 : vector<16xf32>
          %parallel_loop3A_336 = arith.mulf %parallel_loop3A_335, %parallel_loop3A_325 : vector<16xf32>
          %parallel_loop3A_337 = arith.addf %parallel_loop3A_336, %parallel_loop3A_327 : vector<16xf32>
          %parallel_loop3A_338 = arith.constant 0 : i32
          %parallel_loop3A_339 = arith.addi %parallel_loop3A_147, %parallel_loop3A_338 : i32
          %parallel_loop3A_340 = arith.index_cast %rem3A_98 : i32 to index
          %parallel_loop3A_341 = arith.index_cast %parallel_loop3A_339 : i32 to index
          %parallel_loop3A_342 = arith.index_cast %parallel_loop3A_323 : i32 to index
          %parallel_loop3A_343 = tpu.vector_load %arg9[%parallel_loop3A_340, %parallel_loop3A_341, %parallel_loop3A_342] {strides = array<i32>} : memref<3x32x768xf32, #tpu.memory_space<vmem>>, vector<16xf32>,
          tpu.vector_store %arg9[%parallel_loop3A_340, %parallel_loop3A_341, %parallel_loop3A_342], %parallel_loop3A_337 {strides = array<i32>} : memref<3x32x768xf32, #tpu.memory_space<vmem>>, vector<16xf32>,
          %parallel_loop3A_344 = arith.constant 1 : i32
          %parallel_loop3A_345 = arith.addi %parallel_loop3A_147, %parallel_loop3A_344 : i32
          %parallel_loop3A_346 = arith.index_cast %rem3A_98 : i32 to index
          %parallel_loop3A_347 = arith.index_cast %parallel_loop3A_345 : i32 to index
          %parallel_loop3A_348 = arith.index_cast %parallel_loop3A_323 : i32 to index
          %parallel_loop3A_349 = tpu.vector_load %arg9[%parallel_loop3A_346, %parallel_loop3A_347, %parallel_loop3A_348] {strides = array<i32>} : memref<3x32x768xf32, #tpu.memory_space<vmem>>, vector<16xf32>,
          %parallel_loop3A_350 = arith.subf %parallel_loop3A_349, %parallel_loop3A_235 : vector<16xf32>
          %parallel_loop3A_351 = arith.mulf %parallel_loop3A_350, %parallel_loop3A_234 : vector<16xf32>
          %parallel_loop3A_352 = arith.mulf %parallel_loop3A_351, %parallel_loop3A_325 : vector<16xf32>
          %parallel_loop3A_353 = arith.addf %parallel_loop3A_352, %parallel_loop3A_327 : vector<16xf32>
          %parallel_loop3A_354 = arith.constant 1 : i32
          %parallel_loop3A_355 = arith.addi %parallel_loop3A_147, %parallel_loop3A_354 : i32
          %parallel_loop3A_356 = arith.index_cast %rem3A_98 : i32 to index
          %parallel_loop3A_357 = arith.index_cast %parallel_loop3A_355 : i32 to index
          %parallel_loop3A_358 = arith.index_cast %parallel_loop3A_323 : i32 to index
          %parallel_loop3A_359 = tpu.vector_load %arg9[%parallel_loop3A_356, %parallel_loop3A_357, %parallel_loop3A_358] {strides = array<i32>} : memref<3x32x768xf32, #tpu.memory_space<vmem>>, vector<16xf32>,
          tpu.vector_store %arg9[%parallel_loop3A_356, %parallel_loop3A_357, %parallel_loop3A_358], %parallel_loop3A_353 {strides = array<i32>} : memref<3x32x768xf32, #tpu.memory_space<vmem>>, vector<16xf32>,
          %parallel_loop3A_360 = arith.constant 2 : i32
          %parallel_loop3A_361 = arith.addi %parallel_loop3A_147, %parallel_loop3A_360 : i32
          %parallel_loop3A_362 = arith.index_cast %rem3A_98 : i32 to index
          %parallel_loop3A_363 = arith.index_cast %parallel_loop3A_361 : i32 to index
          %parallel_loop3A_364 = arith.index_cast %parallel_loop3A_323 : i32 to index
          %parallel_loop3A_365 = tpu.vector_load %arg9[%parallel_loop3A_362, %parallel_loop3A_363, %parallel_loop3A_364] {strides = array<i32>} : memref<3x32x768xf32, #tpu.memory_space<vmem>>, vector<16xf32>,
          %parallel_loop3A_366 = arith.subf %parallel_loop3A_365, %parallel_loop3A_276 : vector<16xf32>
          %parallel_loop3A_367 = arith.mulf %parallel_loop3A_366, %parallel_loop3A_275 : vector<16xf32>
          %parallel_loop3A_368 = arith.mulf %parallel_loop3A_367, %parallel_loop3A_325 : vector<16xf32>
          %parallel_loop3A_369 = arith.addf %parallel_loop3A_368, %parallel_loop3A_327 : vector<16xf32>
          %parallel_loop3A_370 = arith.constant 2 : i32
          %parallel_loop3A_371 = arith.addi %parallel_loop3A_147, %parallel_loop3A_370 : i32
          %parallel_loop3A_372 = arith.index_cast %rem3A_98 : i32 to index
          %parallel_loop3A_373 = arith.index_cast %parallel_loop3A_371 : i32 to index
          %parallel_loop3A_374 = arith.index_cast %parallel_loop3A_323 : i32 to index
          %parallel_loop3A_375 = tpu.vector_load %arg9[%parallel_loop3A_372, %parallel_loop3A_373, %parallel_loop3A_374] {strides = array<i32>} : memref<3x32x768xf32, #tpu.memory_space<vmem>>, vector<16xf32>,
          tpu.vector_store %arg9[%parallel_loop3A_372, %parallel_loop3A_373, %parallel_loop3A_374], %parallel_loop3A_369 {strides = array<i32>} : memref<3x32x768xf32, #tpu.memory_space<vmem>>, vector<16xf32>,
          %parallel_loop3A_376 = arith.constant 3 : i32
          %parallel_loop3A_377 = arith.addi %parallel_loop3A_147, %parallel_loop3A_376 : i32
          %parallel_loop3A_378 = arith.index_cast %rem3A_98 : i32 to index
          %parallel_loop3A_379 = arith.index_cast %parallel_loop3A_377 : i32 to index
          %parallel_loop3A_380 = arith.index_cast %parallel_loop3A_323 : i32 to index
          %parallel_loop3A_381 = tpu.vector_load %arg9[%parallel_loop3A_378, %parallel_loop3A_379, %parallel_loop3A_380] {strides = array<i32>} : memref<3x32x768xf32, #tpu.memory_space<vmem>>, vector<16xf32>,
          %parallel_loop3A_382 = arith.subf %parallel_loop3A_381, %parallel_loop3A_317 : vector<16xf32>
          %parallel_loop3A_383 = arith.mulf %parallel_loop3A_382, %parallel_loop3A_316 : vector<16xf32>
          %parallel_loop3A_384 = arith.mulf %parallel_loop3A_383, %parallel_loop3A_325 : vector<16xf32>
          %parallel_loop3A_385 = arith.addf %parallel_loop3A_384, %parallel_loop3A_327 : vector<16xf32>
          %parallel_loop3A_386 = arith.constant 3 : i32
          %parallel_loop3A_387 = arith.addi %parallel_loop3A_147, %parallel_loop3A_386 : i32
          %parallel_loop3A_388 = arith.index_cast %rem3A_98 : i32 to index
          %parallel_loop3A_389 = arith.index_cast %parallel_loop3A_387 : i32 to index
          %parallel_loop3A_390 = arith.index_cast %parallel_loop3A_323 : i32 to index
          %parallel_loop3A_391 = tpu.vector_load %arg9[%parallel_loop3A_388, %parallel_loop3A_389, %parallel_loop3A_390] {strides = array<i32>} : memref<3x32x768xf32, #tpu.memory_space<vmem>>, vector<16xf32>,
          tpu.vector_store %arg9[%parallel_loop3A_388, %parallel_loop3A_389, %parallel_loop3A_390], %parallel_loop3A_385 {strides = array<i32>} : memref<3x32x768xf32, #tpu.memory_space<vmem>>, vector<16xf32>,
        } {sc.loop_unroll_factor = 4 : i64, sc.parallel_access}
      } {sc.loop_unroll_factor = 1 : i64, sc.parallel_access}
      %dma_start3A_121 = arith.constant 0 : i32
      %dma_start3A_122 = arith.constant 0 : i32
      %dma_start3A_123 = tpu.memref_slice %arg9[%rem3A_98, %dma_start3A_121, %dma_start3A_122] : memref<3x32x768xf32, #tpu.memory_space<vmem>> -> memref<1x32x768xf32, #tpu.memory_space<vmem>>
      %dma_start3A_124 = tpu.memref_squeeze %dma_start3A_123 : memref<1x32x768xf32, #tpu.memory_space<vmem>> -> memref<32x768xf32, #tpu.memory_space<vmem>>
      %dma_start3A_125 = arith.constant 0 : i32
      %dma_start3A_126 = tpu.memref_slice %arg7[%scan3A_96, %mul3A_2, %dma_start3A_125] : memref<50x1024x768xf32, #tpu.memory_space<hbm>> -> memref<1x32x768xf32, #tpu.memory_space<hbm>>
      %dma_start3A_127 = tpu.memref_squeeze %dma_start3A_126 : memref<1x32x768xf32, #tpu.memory_space<hbm>> -> memref<32x768xf32, #tpu.memory_space<hbm>>
      %dma_start3A_128 = tpu.memref_slice %arg14[%rem3A_98] : memref<3x!tpu.dma_semaphore, #tpu.memory_space<semaphore_mem>> -> memref<1x!tpu.dma_semaphore, #tpu.memory_space<semaphore_mem>>
      %dma_start3A_129 = tpu.memref_squeeze %dma_start3A_128 : memref<1x!tpu.dma_semaphore, #tpu.memory_space<semaphore_mem>> -> memref<!tpu.dma_semaphore, #tpu.memory_space<semaphore_mem>>
      %dma_start3A_130 = arith.constant 0 : i32
      %dma_start3A_131 = tpu.memref_slice %arg7[%scan3A_96, %mul3A_2, %dma_start3A_130] : memref<50x1024x768xf32, #tpu.memory_space<hbm>> -> memref<1x32x768xf32, #tpu.memory_space<hbm>>
      %dma_start3A_132 = tpu.memref_squeeze %dma_start3A_131 : memref<1x32x768xf32, #tpu.memory_space<hbm>> -> memref<32x768xf32, #tpu.memory_space<hbm>>
      %dma_start3A_133 = arith.constant 0 : i32
      %dma_start3A_134 = arith.constant 0 : i32
      %dma_start3A_135 = tpu.memref_slice %arg9[%rem3A_98, %dma_start3A_133, %dma_start3A_134] : memref<3x32x768xf32, #tpu.memory_space<vmem>> -> memref<1x32x768xf32, #tpu.memory_space<vmem>>
      %dma_start3A_136 = tpu.memref_squeeze %dma_start3A_135 : memref<1x32x768xf32, #tpu.memory_space<vmem>> -> memref<32x768xf32, #tpu.memory_space<vmem>>
      tpu.enqueue_dma source(%dma_start3A_136 : memref<32x768xf32, #tpu.memory_space<vmem>>) target(%dma_start3A_132 : memref<32x768xf32, #tpu.memory_space<hbm>>) target_semaphore(%dma_start3A_129 : memref<!tpu.dma_semaphore, #tpu.memory_space<semaphore_mem>>)
      %add3A_137 = arith.constant 2 : i32
      %add3A_138 = arith.addi %scan3A_96, %add3A_137 : i32
      %lt3A_139 = arith.constant 50 : i32
      %lt3A_140 = arith.cmpi slt, %add3A_138, %lt3A_139 : i32
      %convert_element_type3A_141 = arith.extui %lt3A_140 : i1 to i32
      %cond3A_142 = arith.constant 0 : i32
      %cond3A_143 = arith.cmpi ne, %convert_element_type3A_141, %cond3A_142 : i32
      scf.if %cond3A_143 {
        %ge3A = arith.constant 1 : i32
        %ge3A_145 = arith.cmpi sge, %scan3A_96, %ge3A : i32
        %convert_element_type3A_146 = arith.extui %ge3A_145 : i1 to i32
        %cond3A_147 = arith.constant 0 : i32
        %cond3A_148 = arith.cmpi ne, %convert_element_type3A_146, %cond3A_147 : i32
        scf.if %cond3A_148 {
          %sub3A = arith.constant 1 : i32
          %sub3A_161 = arith.subi %scan3A_96, %sub3A : i32
          %dma_wait3A_162 = arith.constant 0 : i32
          %dma_wait3A_163 = arith.constant 0 : i32
          %dma_wait3A_164 = tpu.memref_slice %arg9[%rem3A_102, %dma_wait3A_162, %dma_wait3A_163] : memref<3x32x768xf32, #tpu.memory_space<vmem>> -> memref<1x32x768xf32, #tpu.memory_space<vmem>>
          %dma_wait3A_165 = tpu.memref_squeeze %dma_wait3A_164 : memref<1x32x768xf32, #tpu.memory_space<vmem>> -> memref<32x768xf32, #tpu.memory_space<vmem>>
          %dma_wait3A_166 = arith.constant 0 : i32
          %dma_wait3A_167 = tpu.memref_slice %arg7[%sub3A_161, %mul3A_2, %dma_wait3A_166] : memref<50x1024x768xf32, #tpu.memory_space<hbm>> -> memref<1x32x768xf32, #tpu.memory_space<hbm>>
          %dma_wait3A_168 = tpu.memref_squeeze %dma_wait3A_167 : memref<1x32x768xf32, #tpu.memory_space<hbm>> -> memref<32x768xf32, #tpu.memory_space<hbm>>
          %dma_wait3A_169 = tpu.memref_slice %arg14[%rem3A_102] : memref<3x!tpu.dma_semaphore, #tpu.memory_space<semaphore_mem>> -> memref<1x!tpu.dma_semaphore, #tpu.memory_space<semaphore_mem>>
          %dma_wait3A_170 = tpu.memref_squeeze %dma_wait3A_169 : memref<1x!tpu.dma_semaphore, #tpu.memory_space<semaphore_mem>> -> memref<!tpu.dma_semaphore, #tpu.memory_space<semaphore_mem>>
          %dma_wait3A_171 = arith.constant 0 : i32
          %dma_wait3A_172 = tpu.memref_slice %arg7[%sub3A_161, %mul3A_2, %dma_wait3A_171] : memref<50x1024x768xf32, #tpu.memory_space<hbm>> -> memref<1x32x768xf32, #tpu.memory_space<hbm>>
          %dma_wait3A_173 = tpu.memref_squeeze %dma_wait3A_172 : memref<1x32x768xf32, #tpu.memory_space<hbm>> -> memref<32x768xf32, #tpu.memory_space<hbm>>
          %dma_wait3A_174 = arith.constant 0 : i32
          %dma_wait3A_175 = arith.constant 0 : i32
          %dma_wait3A_176 = tpu.memref_slice %arg9[%rem3A_102, %dma_wait3A_174, %dma_wait3A_175] : memref<3x32x768xf32, #tpu.memory_space<vmem>> -> memref<1x32x768xf32, #tpu.memory_space<vmem>>
          %dma_wait3A_177 = tpu.memref_squeeze %dma_wait3A_176 : memref<1x32x768xf32, #tpu.memory_space<vmem>> -> memref<32x768xf32, #tpu.memory_space<vmem>>
          tpu.wait_dma2 semaphore(%dma_wait3A_170 : memref<!tpu.dma_semaphore, #tpu.memory_space<semaphore_mem>>) src(%dma_wait3A_177 : memref<32x768xf32, #tpu.memory_space<vmem>>) dst(%dma_wait3A_173 : memref<32x768xf32, #tpu.memory_space<hbm>>)
          %add3A_178 = arith.constant 2 : i32
          %add3A_179 = arith.addi %scan3A_96, %add3A_178 : i32
          %mul3A_180 = arith.constant 1024 : i32
          %mul3A_181 = arith.muli %add3A_179, %mul3A_180 : i32
          %add3A_182 = arith.addi %mul3A_181, %mul3A_2 : i32
          %mul3A_183 = arith.constant 32 : i32
          %mul3A_184 = arith.muli %rem3A_102, %mul3A_183 : i32
          %dma_wait3A_185 = tpu.memref_slice %arg8[%mul3A_184] : memref<96xi32, #tpu.memory_space<vmem>> -> memref<32xi32, #tpu.memory_space<vmem>>
          %dma_wait3A_186 = tpu.memref_slice %arg2[%add3A_182] : memref<51200xi32, #tpu.memory_space<hbm>> -> memref<32xi32, #tpu.memory_space<hbm>>
          %dma_wait3A_187 = tpu.memref_slice %arg15[%rem3A_102] : memref<3x!tpu.dma_semaphore, #tpu.memory_space<semaphore_mem>> -> memref<1x!tpu.dma_semaphore, #tpu.memory_space<semaphore_mem>>
          %dma_wait3A_188 = tpu.memref_squeeze %dma_wait3A_187 : memref<1x!tpu.dma_semaphore, #tpu.memory_space<semaphore_mem>> -> memref<!tpu.dma_semaphore, #tpu.memory_space<semaphore_mem>>
          %dma_wait3A_189 = tpu.memref_slice %arg8[%mul3A_184] : memref<96xi32, #tpu.memory_space<vmem>> -> memref<32xi32, #tpu.memory_space<vmem>>
          %dma_wait3A_190 = tpu.memref_slice %arg2[%add3A_182] : memref<51200xi32, #tpu.memory_space<hbm>> -> memref<32xi32, #tpu.memory_space<hbm>>
          tpu.wait_dma2 semaphore(%dma_wait3A_188 : memref<!tpu.dma_semaphore, #tpu.memory_space<semaphore_mem>>) src(%dma_wait3A_190 : memref<32xi32, #tpu.memory_space<hbm>>) dst(%dma_wait3A_189 : memref<32xi32, #tpu.memory_space<vmem>>)
        } else {
        }
        %mul3A_149 = arith.constant 32 : i32
        %mul3A_150 = arith.muli %rem3A_102, %mul3A_149 : i32
        %dma_start3A_151 = arith.constant 0 : i32
        %dma_start3A_152 = arith.constant 0 : i32
        %dma_start3A_153 = tpu.memref_slice %arg9[%rem3A_102, %dma_start3A_151, %dma_start3A_152] : memref<3x32x768xf32, #tpu.memory_space<vmem>> -> memref<1x32x768xf32, #tpu.memory_space<vmem>>
        %dma_start3A_154 = tpu.memref_squeeze %dma_start3A_153 : memref<1x32x768xf32, #tpu.memory_space<vmem>> -> memref<32x768xf32, #tpu.memory_space<vmem>>
        %dma_start3A_155 = tpu.memref_slice %arg8[%mul3A_150] : memref<96xi32, #tpu.memory_space<vmem>> -> memref<32xi32, #tpu.memory_space<vmem>>
        %dma_start3A_156 = arith.constant 0 : i32
        %dma_start3A_157 = arith.constant 0 : i32
        %dma_start3A_158 = tpu.memref_slice %arg3[%dma_start3A_156, %dma_start3A_157] : memref<30522x768xf32, #tpu.memory_space<hbm>> -> memref<30522x768xf32, #tpu.memory_space<hbm>>
        %dma_start3A_159 = tpu.memref_slice %arg13[%rem3A_102] : memref<3x!tpu.dma_semaphore, #tpu.memory_space<semaphore_mem>> -> memref<1x!tpu.dma_semaphore, #tpu.memory_space<semaphore_mem>>
        %dma_start3A_160 = tpu.memref_squeeze %dma_start3A_159 : memref<1x!tpu.dma_semaphore, #tpu.memory_space<semaphore_mem>> -> memref<!tpu.dma_semaphore, #tpu.memory_space<semaphore_mem>>
        tpu.enqueue_indirect_dma source(%dma_start3A_158 : memref<30522x768xf32, #tpu.memory_space<hbm>>) target(%dma_start3A_154 : memref<32x768xf32, #tpu.memory_space<vmem>>) offsets(%dma_start3A_155 : memref<32xi32, #tpu.memory_space<vmem>>) semaphore(%dma_start3A_160 : memref<!tpu.dma_semaphore, #tpu.memory_space<semaphore_mem>>)
      } else {
      }
      %scan3A_144 = arith.constant 0 : i32
      scf.yield %scan3A_144 : i32
    }
    %scan3A_39 = arith.constant 50 : i32
    %dma_wait3A = arith.constant 2 : i32
    %dma_wait3A_40 = arith.constant 47 : i32
    %dma_wait3A_41 = arith.constant 2 : i32
    %dma_wait3A_42 = arith.constant 0 : i32
    %dma_wait3A_43 = arith.constant 0 : i32
    %dma_wait3A_44 = tpu.memref_slice %arg9[%dma_wait3A, %dma_wait3A_42, %dma_wait3A_43] : memref<3x32x768xf32, #tpu.memory_space<vmem>> -> memref<1x32x768xf32, #tpu.memory_space<vmem>>
    %dma_wait3A_45 = tpu.memref_squeeze %dma_wait3A_44 : memref<1x32x768xf32, #tpu.memory_space<vmem>> -> memref<32x768xf32, #tpu.memory_space<vmem>>
    %dma_wait3A_46 = arith.constant 0 : i32
    %dma_wait3A_47 = tpu.memref_slice %arg7[%dma_wait3A_40, %mul3A_2, %dma_wait3A_46] : memref<50x1024x768xf32, #tpu.memory_space<hbm>> -> memref<1x32x768xf32, #tpu.memory_space<hbm>>
    %dma_wait3A_48 = tpu.memref_squeeze %dma_wait3A_47 : memref<1x32x768xf32, #tpu.memory_space<hbm>> -> memref<32x768xf32, #tpu.memory_space<hbm>>
    %dma_wait3A_49 = tpu.memref_slice %arg14[%dma_wait3A_41] : memref<3x!tpu.dma_semaphore, #tpu.memory_space<semaphore_mem>> -> memref<1x!tpu.dma_semaphore, #tpu.memory_space<semaphore_mem>>
    %dma_wait3A_50 = tpu.memref_squeeze %dma_wait3A_49 : memref<1x!tpu.dma_semaphore, #tpu.memory_space<semaphore_mem>> -> memref<!tpu.dma_semaphore, #tpu.memory_space<semaphore_mem>>
    %dma_wait3A_51 = arith.constant 0 : i32
    %dma_wait3A_52 = tpu.memref_slice %arg7[%dma_wait3A_40, %mul3A_2, %dma_wait3A_51] : memref<50x1024x768xf32, #tpu.memory_space<hbm>> -> memref<1x32x768xf32, #tpu.memory_space<hbm>>
    %dma_wait3A_53 = tpu.memref_squeeze %dma_wait3A_52 : memref<1x32x768xf32, #tpu.memory_space<hbm>> -> memref<32x768xf32, #tpu.memory_space<hbm>>
    %dma_wait3A_54 = arith.constant 0 : i32
    %dma_wait3A_55 = arith.constant 0 : i32
    %dma_wait3A_56 = tpu.memref_slice %arg9[%dma_wait3A, %dma_wait3A_54, %dma_wait3A_55] : memref<3x32x768xf32, #tpu.memory_space<vmem>> -> memref<1x32x768xf32, #tpu.memory_space<vmem>>
    %dma_wait3A_57 = tpu.memref_squeeze %dma_wait3A_56 : memref<1x32x768xf32, #tpu.memory_space<vmem>> -> memref<32x768xf32, #tpu.memory_space<vmem>>
    tpu.wait_dma2 semaphore(%dma_wait3A_50 : memref<!tpu.dma_semaphore, #tpu.memory_space<semaphore_mem>>) src(%dma_wait3A_57 : memref<32x768xf32, #tpu.memory_space<vmem>>) dst(%dma_wait3A_53 : memref<32x768xf32, #tpu.memory_space<hbm>>)
    %dma_wait3A_58 = arith.constant 0 : i32
    %dma_wait3A_59 = arith.constant 48 : i32
    %dma_wait3A_60 = arith.constant 0 : i32
    %dma_wait3A_61 = arith.constant 0 : i32
    %dma_wait3A_62 = arith.constant 0 : i32
    %dma_wait3A_63 = tpu.memref_slice %arg9[%dma_wait3A_58, %dma_wait3A_61, %dma_wait3A_62] : memref<3x32x768xf32, #tpu.memory_space<vmem>> -> memref<1x32x768xf32, #tpu.memory_space<vmem>>
    %dma_wait3A_64 = tpu.memref_squeeze %dma_wait3A_63 : memref<1x32x768xf32, #tpu.memory_space<vmem>> -> memref<32x768xf32, #tpu.memory_space<vmem>>
    %dma_wait3A_65 = arith.constant 0 : i32
    %dma_wait3A_66 = tpu.memref_slice %arg7[%dma_wait3A_59, %mul3A_2, %dma_wait3A_65] : memref<50x1024x768xf32, #tpu.memory_space<hbm>> -> memref<1x32x768xf32, #tpu.memory_space<hbm>>
    %dma_wait3A_67 = tpu.memref_squeeze %dma_wait3A_66 : memref<1x32x768xf32, #tpu.memory_space<hbm>> -> memref<32x768xf32, #tpu.memory_space<hbm>>
    %dma_wait3A_68 = tpu.memref_slice %arg14[%dma_wait3A_60] : memref<3x!tpu.dma_semaphore, #tpu.memory_space<semaphore_mem>> -> memref<1x!tpu.dma_semaphore, #tpu.memory_space<semaphore_mem>>
    %dma_wait3A_69 = tpu.memref_squeeze %dma_wait3A_68 : memref<1x!tpu.dma_semaphore, #tpu.memory_space<semaphore_mem>> -> memref<!tpu.dma_semaphore, #tpu.memory_space<semaphore_mem>>
    %dma_wait3A_70 = arith.constant 0 : i32
    %dma_wait3A_71 = tpu.memref_slice %arg7[%dma_wait3A_59, %mul3A_2, %dma_wait3A_70] : memref<50x1024x768xf32, #tpu.memory_space<hbm>> -> memref<1x32x768xf32, #tpu.memory_space<hbm>>
    %dma_wait3A_72 = tpu.memref_squeeze %dma_wait3A_71 : memref<1x32x768xf32, #tpu.memory_space<hbm>> -> memref<32x768xf32, #tpu.memory_space<hbm>>
    %dma_wait3A_73 = arith.constant 0 : i32
    %dma_wait3A_74 = arith.constant 0 : i32
    %dma_wait3A_75 = tpu.memref_slice %arg9[%dma_wait3A_58, %dma_wait3A_73, %dma_wait3A_74] : memref<3x32x768xf32, #tpu.memory_space<vmem>> -> memref<1x32x768xf32, #tpu.memory_space<vmem>>
    %dma_wait3A_76 = tpu.memref_squeeze %dma_wait3A_75 : memref<1x32x768xf32, #tpu.memory_space<vmem>> -> memref<32x768xf32, #tpu.memory_space<vmem>>
    tpu.wait_dma2 semaphore(%dma_wait3A_69 : memref<!tpu.dma_semaphore, #tpu.memory_space<semaphore_mem>>) src(%dma_wait3A_76 : memref<32x768xf32, #tpu.memory_space<vmem>>) dst(%dma_wait3A_72 : memref<32x768xf32, #tpu.memory_space<hbm>>)
    %dma_wait3A_77 = arith.constant 1 : i32
    %dma_wait3A_78 = arith.constant 49 : i32
    %dma_wait3A_79 = arith.constant 1 : i32
    %dma_wait3A_80 = arith.constant 0 : i32
    %dma_wait3A_81 = arith.constant 0 : i32
    %dma_wait3A_82 = tpu.memref_slice %arg9[%dma_wait3A_77, %dma_wait3A_80, %dma_wait3A_81] : memref<3x32x768xf32, #tpu.memory_space<vmem>> -> memref<1x32x768xf32, #tpu.memory_space<vmem>>
    %dma_wait3A_83 = tpu.memref_squeeze %dma_wait3A_82 : memref<1x32x768xf32, #tpu.memory_space<vmem>> -> memref<32x768xf32, #tpu.memory_space<vmem>>
    %dma_wait3A_84 = arith.constant 0 : i32
    %dma_wait3A_85 = tpu.memref_slice %arg7[%dma_wait3A_78, %mul3A_2, %dma_wait3A_84] : memref<50x1024x768xf32, #tpu.memory_space<hbm>> -> memref<1x32x768xf32, #tpu.memory_space<hbm>>
    %dma_wait3A_86 = tpu.memref_squeeze %dma_wait3A_85 : memref<1x32x768xf32, #tpu.memory_space<hbm>> -> memref<32x768xf32, #tpu.memory_space<hbm>>
    %dma_wait3A_87 = tpu.memref_slice %arg14[%dma_wait3A_79] : memref<3x!tpu.dma_semaphore, #tpu.memory_space<semaphore_mem>> -> memref<1x!tpu.dma_semaphore, #tpu.memory_space<semaphore_mem>>
    %dma_wait3A_88 = tpu.memref_squeeze %dma_wait3A_87 : memref<1x!tpu.dma_semaphore, #tpu.memory_space<semaphore_mem>> -> memref<!tpu.dma_semaphore, #tpu.memory_space<semaphore_mem>>
    %dma_wait3A_89 = arith.constant 0 : i32
    %dma_wait3A_90 = tpu.memref_slice %arg7[%dma_wait3A_78, %mul3A_2, %dma_wait3A_89] : memref<50x1024x768xf32, #tpu.memory_space<hbm>> -> memref<1x32x768xf32, #tpu.memory_space<hbm>>
    %dma_wait3A_91 = tpu.memref_squeeze %dma_wait3A_90 : memref<1x32x768xf32, #tpu.memory_space<hbm>> -> memref<32x768xf32, #tpu.memory_space<hbm>>
    %dma_wait3A_92 = arith.constant 0 : i32
    %dma_wait3A_93 = arith.constant 0 : i32
    %dma_wait3A_94 = tpu.memref_slice %arg9[%dma_wait3A_77, %dma_wait3A_92, %dma_wait3A_93] : memref<3x32x768xf32, #tpu.memory_space<vmem>> -> memref<1x32x768xf32, #tpu.memory_space<vmem>>
    %dma_wait3A_95 = tpu.memref_squeeze %dma_wait3A_94 : memref<1x32x768xf32, #tpu.memory_space<vmem>> -> memref<32x768xf32, #tpu.memory_space<vmem>>
    tpu.wait_dma2 semaphore(%dma_wait3A_88 : memref<!tpu.dma_semaphore, #tpu.memory_space<semaphore_mem>>) src(%dma_wait3A_95 : memref<32x768xf32, #tpu.memory_space<vmem>>) dst(%dma_wait3A_91 : memref<32x768xf32, #tpu.memory_space<hbm>>)
    return
  }
}

</mosaic_0001>

<sc_bundles>
// kernel: kernel.3.cloned.1.call-start
scs
__scs_entry_jumppad:
0x0: {  	(pc) =	sbr.rel $0x88, $3  }
0x1: {  	(tag) =	ssettag $0x0;
	lr =	simm.s32 $0x1  }
0x2: {  	[smem:$0x3F9C] =	sst lr;
	_ =	strace $0xD0000000  }
0x3: {  	_ = 	snop  }
0x4: {  	_ = 	snop  }
0x5: {  	_ = 	snop  }
0x6: {  	_ = 	snop  }
0x7: {  	_ = 	snop  }
__scs_overlays_trampoline_lowered:
0x8: {  	[smem:$0x3FAB] =	sst s0  }
0x9: {  	[smem:$0x3FAC] =	sst s1  }
0xa: {  	[smem:$0x3FAD] =	sst s2  }
0xb: {  	[smem:$0x3FAE] =	sst s3  }
0xc: {  	[smem:$0x3FAF] =	sst s4  }
0xd: {  	[smem:$0x3FB0] =	sst s5  }
0xe: {  	[smem:$0x3FB1] =	sst s6  }
0xf: {  	[smem:$0x3FB2] =	sst s7  }
0x10: {  	[smem:$0x3FB3] =	sst s8  }
0x11: {  	[smem:$0x3FB4] =	sst s9;
	s0 =	simm.s32 @!p0 $0x0  }
0x12: {  	s1 =	sld [smem:$0x3F9A];
	s0 =	simm.s32 @p0 $0x1  }
0x13: {  	[smem:$0x3FB5] =	sst s0;
	s0 =	simm.s32 @!p1 $0x0  }
0x14: {  	s2 =	sld [smem:$0x3F99];
	s0 =	simm.s32 @p1 $0x1  }
0x15: {  	[smem:$0x3FB6] =	sst s0;
	s0 =	simm.s32 @!p2 $0x0  }
0x16: {  	s3 =	sld [smem:$0x3FDB];
	s0 =	simm.s32 @p2 $0x1  }
0x17: {  	s4 =	simm.s32 $0x1BF5;
	[smem:$0x3FB8] =	sst s0  }
0x18: {  	s0 =	sld [smem:$0x3F9B];
	_ =	swait.ge [sflag:s4], $0x0  }
0x19: {  	s7 =	sld [smem:$0x3F9C]  }
0x1a: {  	s8 =	sadd.s32 $0xFFFFE003, lr  }
0x1b: {  	s9 =	sadd.s32 $0xFFFFFEF7, lr;
	s5 =	simm.s32 $0xFFFFFFFF;
	p2 =	slt.u32 s8, $0xFFFFF086  }
0x1c: {  	p1 =	slt.u32 s9, $0xF7A;
	s5 =	simm.s32 @!p2 $0x0  }
0x1d: {  	s5 =	simm.s32 @p1 $0x1;
	p0 =	seq.s32 s7, s2  }
0x1e: {  	s7 =	smul.u32 @!p0 $0xF7A, s2;
	p2 =	seq.s32 @!p0 s5, $0x0  }
0x1f: {  	s9 =	smul.u32 $0xF7A, s1;
	s8 =	simm.s32 @!p0 $0x1BF5;
	p2 =	por !p2, p0  }
0x20: {  	[sflag:s8] =	ssyncset.s32 @!p0 $0xFFFFF086;
	s6 =	sadd.s32 @!p0 s3, s7;
	s7 =	simm.s32 @!p0 $0x108  }
0x21: {  	s3 =	sadd.s32 s3, s9;
	s6 =	sadd.s32 @!p0 $0x88, s6;
	s7 =	simm.s32 @p2 $0x1082  }
0x22: {  	[simem:s7], [sflag:s8] =	dma.local @!p0 [hbm:s6], $0xF7A  }
0x23: {  	s9 =	sor.u32 $0xD0000000, s2;
	s6 =	simm.s32 $0x108;
	_ =	swait.ge @!p0 [sflag:s8], $0x0  }
0x24: {  	s3 =	sadd.s32 $0x88, s3;
	s6 =	simm.s32 @!p1 $0x1082;
	[sflag:s4] =	ssyncset.s32 $0xFFFFF086  }
0x25: {  	[simem:s6], [sflag:s4] =	dma.local [hbm:s3], $0xF7A  }
0x26: {  	[smem:$0x3F9C] =	sst s1;
	(tag) =	ssettag s2;
	_ =	strace s9  }
0x27: {  	s1 =	sld [smem:$0x3FAC]  }
0x28: {  	s2 =	sld [smem:$0x3FAD]  }
0x29: {  	s4 =	sld [smem:$0x3FAF]  }
0x2a: {  	p0 =	seq.s32 s5, $0x0;
	s5 =	sld [smem:$0x3FB0]  }
0x2b: {  	s6 =	sld [smem:$0x3FB1]  }
0x2c: {  	s7 =	sld [smem:$0x3FB2]  }
0x2d: {  	s3 =	simm.s32 $0x108;
	s8 =	sld [smem:$0x3FB3]  }
0x2e: {  	s3 =	simm.s32 @!p0 $0x1082;
	s9 =	sld [smem:$0x3FB4]  }
0x2f: {  	lr =	sadd.s32 s0, s3;
	s0 =	sld [smem:$0x3FAB]  }
0x30: {  	s3 =	sld [smem:$0x3FAE]  }
0x31: {  	[smem:$0x3FB7] =	sst s10  }
0x32: {  	s10 =	sld [smem:$0x3FB5];
	_ =	sdelay $0x3  }
0x33: {  	p0 =	seq.s32 s10, $0x1;
	s10 =	sld [smem:$0x3FB7];
	_ =	sdelay $0x3  }
0x34: {  	[smem:$0x3FB7] =	sst s10  }
0x35: {  	s10 =	sld [smem:$0x3FB6];
	_ =	sdelay $0x3  }
0x36: {  	p1 =	seq.s32 s10, $0x1;
	s10 =	sld [smem:$0x3FB7];
	_ =	sdelay $0x3  }
0x37: {  	[smem:$0x3FB7] =	sst s10  }
0x38: {  	s10 =	sld [smem:$0x3FB8]  }
0x39: {  	_ = 	snop;
	(pc) =	sbr.ind lr, $3  }
0x3a: {  	_ = 	snop  }
0x3b: {  	_ = 	snop  }
0x3c: {  	p2 =	seq.s32 s10, $0x1;
	s10 =	sld [smem:$0x3FB7]  }
0x3d: {  	_ =	shalt  }
0x3e: {  	_ =	shalt  }
0x3f: {  	_ =	shalt  }
0x40: {  	_ =	shalt  }
0x41: {  	_ =	shalt  }
0x42: {  	_ =	shalt  }
0x43: {  	_ =	shalt  }
0x44: {  	_ =	shalt  }
0x45: {  	_ =	shalt  }
0x46: {  	_ =	shalt  }
0x47: {  	_ =	shalt  }
0x48: {  	_ =	shalt  }
0x49: {  	_ =	shalt  }
0x4a: {  	_ =	shalt  }
0x4b: {  	_ =	shalt  }
0x4c: {  	_ =	shalt  }
0x4d: {  	_ =	shalt  }
0x4e: {  	_ =	shalt  }
0x4f: {  	_ =	shalt  }
0x50: {  	_ =	shalt  }
0x51: {  	_ =	shalt  }
0x52: {  	_ =	shalt  }
0x53: {  	_ =	shalt  }
0x54: {  	_ =	shalt  }
0x55: {  	_ =	shalt  }
0x56: {  	_ =	shalt  }
0x57: {  	_ =	shalt  }
0x58: {  	_ =	shalt  }
0x59: {  	_ =	shalt  }
0x5a: {  	_ =	shalt  }
0x5b: {  	_ =	shalt  }
0x5c: {  	_ =	shalt  }
0x5d: {  	_ =	shalt  }
0x5e: {  	_ =	shalt  }
0x5f: {  	_ =	shalt  }
0x60: {  	_ =	shalt  }
0x61: {  	_ =	shalt  }
0x62: {  	_ =	shalt  }
0x63: {  	_ =	shalt  }
0x64: {  	_ =	shalt  }
0x65: {  	_ =	shalt  }
0x66: {  	_ =	shalt  }
0x67: {  	_ =	shalt  }
0x68: {  	_ =	shalt  }
0x69: {  	_ =	shalt  }
0x6a: {  	_ =	shalt  }
0x6b: {  	_ =	shalt  }
0x6c: {  	_ =	shalt  }
0x6d: {  	_ =	shalt  }
0x6e: {  	_ =	shalt  }
0x6f: {  	_ =	shalt  }
0x70: {  	_ =	shalt  }
0x71: {  	_ =	shalt  }
0x72: {  	_ =	shalt  }
0x73: {  	_ =	shalt  }
0x74: {  	_ =	shalt  }
0x75: {  	_ =	shalt  }
0x76: {  	_ =	shalt  }
0x77: {  	_ =	shalt  }
0x78: {  	_ =	shalt  }
0x79: {  	_ =	shalt  }
0x7a: {  	_ =	shalt  }
0x7b: {  	_ =	shalt  }
0x7c: {  	_ =	shalt  }
0x7d: {  	_ =	shalt  }
0x7e: {  	_ =	shalt  }
0x7f: {  	_ =	shalt  }
0x80: {  	_ =	shalt  }
0x81: {  	_ =	shalt  }
0x82: {  	_ =	shalt  }
0x83: {  	_ =	shalt  }
0x84: {  	_ =	shalt  }
0x85: {  	_ =	shalt  }
0x86: {  	_ =	shalt  }
0x87: {  	_ =	shalt  }
.Lfunc_end0:
.L_simem_size_0:
called_computation_lowered:
.L_overlay_start_0:
0x88: {  	s2 =	sld [smem:$0x3FD9]  }
0x89: {  	s3 =	sld [smem:$0x3FFE];
	_ =	sdelay $0x1  }
0x8a: {  	s1 =	srdreg.scid  }
0x8b: {  	s0 =	sand.u32 $0x1, s1  }
0x8c: {  	s14 =	sshll.u32 s0, $0xA;
	s2 =	sadd.s32 s3, s2  }
0x8d: {  	s2 =	sadd.s32 s2, s14  }
0x8e: {  	[smem:$0x3FC3] =	sst s2  }
0x8f: {  	_ = 	snop  }
0x90: {  	s2 =	sld [smem:$0x3FD0]  }
0x91: {  	s15 =	sld [smem:$0x3FC8]  }
0x92: {  	s4 =	sld [smem:$0x3FC6]  }
0x93: {  	s6 =	simm.s32 $0xA;
	s7 =	simm.s32 $0x10;
	s5 =	sld [smem:$0x3FC5]  }
0x94: {  	[smem:s7], [sflag:s6] =	dma.local [hbm:s2], $0x1  }
0x95: {  	_ =	swait.eq [sflag:s6], $0x1  }
0x96: {  	[sflag:s6] =	ssyncset.done $0x0  }
0x97: {  	s16 =	sld [smem:$0x10];
	[sflag:s6] =	ssyncadd.s32 $0xFFFFFFFF  }
0x98: {  	s17 =	sld [smem:$0x11];
	(tm) =	ssettm $0x1  }
0x99: {  	s18 =	sld [smem:$0x3FFB];
	_ =	sdelay $0x3  }
0x9a: {  	_ =	strace s18  }
0x9b: {  	s7 =	sld [smem:$0x3FFC];
	_ =	sdelay $0x3  }
0x9c: {  	_ =	strace s7  }
0x9d: {  	s7 =	sld [smem:$0x3FFD];
	_ =	sdelay $0x3  }
0x9e: {  	_ =	strace s7  }
0x9f: {  	_ =	strace $0x8FFFFFFF  }
0xa0: {  	s19 =	sld [smem:$0x3FDB];
	_ =	sdelay $0x1  }
0xa1: {  	s8 =	simm.s32 $_scs_section_size  }
0xa2: {  	s9 =	simm.s32 $_size__tile_overlayer_lowered;
	s10 =	simm.s32 $_tile_overlayer_lowered  }
0xa3: {  	s22 =	simm.s32 $0x1BFF;
	s21 =	sshll.u32 s10, $0x1;
	s7 =	sadd.s32 s8, s19  }
0xa4: {  	s11 =	simm.s32 $0x0;
	s20 =	sshll.u32 s9, $0x1;
	s9 =	sadd.s32 s21, s7  }
0xa5: {  	[timem:s11], [sflag:s22] =	dma.local [hbm:s9], s20  }
0xa6: {  	_ =	swait.ge [sflag:s22], s20  }
0xa7: {  	s8 =	ssub.s32 $0x0, s20;
	[sflag:s22] =	ssyncset.done $0x0  }
0xa8: {  	[sflag:s22] =	ssyncadd.s32 s8;
	_ =	sdelay $0x1  }
0xa9: {  	s23 =	simm.s32 $0x1B8B  }
0xaa: {  	_ =	swait.ge [sflag:s23], $0x1  }
0xab: {  	[sflag:s23] =	ssyncset.done $0x0  }
0xac: {  	s25 =	simm.s32 $0x1B8E;
	s24 =	sld [smem:$0x3FFE];
	[sflag:s23] =	ssyncadd.s32 $0xFFFFFFFF  }
0xad: {  	s26 =	simm.s32 $execute0_lowered;
	[smem:$0x3FD2] =	sst s25  }
0xae: {  	s9 =	sshll.u32 s26, $0x1;
	_ =	strace $0x80000046;
	[dreg:$0x1] =	wrdreg $0xFFFFFFFF  }
0xaf: {  	s28 =	simm.s32 $_size_execute0_lowered;
	s7 =	sadd.s32 s7, s9;
	[dreg:$0x0] =	wrdreg $0x0  }
0xb0: {  	s9 =	sshll.u32 s28, $0x1;
	[dreg:$0x2] =	wrdreg s7  }
0xb1: {  	[dreg:$0x3] =	wrdreg s9  }
0xb2: {  	[dreg:$0x4] =	wrdreg $0xC0  }
0xb3: {  	_ =	task [dreg:s11], $0x5FFFF  }
0xb4: {  	[dreg:$0x1] =	wrdreg $0xFFFFFFFF  }
0xb5: {  	[dreg:$0x0] =	wrdreg $0x60  }
0xb6: {  	[dreg:$0x2] =	wrdreg s17  }
0xb7: {  	[dreg:$0x3] =	wrdreg s15  }
0xb8: {  	[dreg:$0x4] =	wrdreg s24  }
0xb9: {  	[dreg:$0x5] =	wrdreg s4  }
0xba: {  	[dreg:$0x6] =	wrdreg s5  }
0xbb: {  	[dreg:$0x7] =	wrdreg s16  }
0xbc: {  	[dreg:$0x8] =	wrdreg $0x9  }
0xbd: {  	_ =	task.clear_ibuf [dreg:s11], $0x9FFFF;
	_ =	strace $0x90000046  }
0xbe: {  	s29 =	simm.s32 $0x9;
	_ =	strace $0x80000048  }
0xbf: {  	_ =	swait.ge [sflag:s29], $0x1  }
0xc0: {  	[sflag:s29] =	ssyncadd.s32 $0xFFFFFFFF  }
0xc1: {  	_ =	strace $0x90000048  }
0xc2: {  	_ =	sfence  }
0xc3: {  	s30 =	sld [smem:$0x0];
	_ =	sdelay $0x2  }
0xc4: {  	s31 =	sshll.u32 s1, $0xD;
	s1 =	sshrl.u32 s1, $0x2  }
0xc5: {  	s3 =	sand.u32 $0x4000, s31;
	s1 =	sadd.s32 s1, s30  }
0xc6: {  	s0 =	sor.u32 s3, s0;
	s1 =	sshll.u32 s1, $0x11  }
0xc7: {  	s0 =	sor.u32 s1, s0  }
0xc8: {  	s0 =	sadd.s32 $0x8F2B, s0  }
0xc9: {  	[sflag:s0] =	ssyncadd.remote.s32 $0x1  }
0xca: {  	_ =	sfence.sel $0xFFFF  }
0xcb: {  	[dreg:$0x0] =	wrdreg $0xFFFFFFFF;
	(pc) =	sbr.abs _section_cstart, $3  }
0xcc: {  	[dreg:$0x1] =	wrdreg $0xFFFFFFFF  }
0xcd: {  	_ =	task.clear_ibuf [dreg:s11], $0x2FFFF;
	_ =	strace $0x9FFFFFFF  }
0xce: {  	(tm) =	ssettm $0x7FFFFFFF  }
0xcf: {  	_ =	shalt  }
tec
execute0_lowered:
.L_overlay_start_1:
0x0: {  	(tag) =	ssettag $0x1  }
0x1: {  	s4 =	rddreg [dreg:$0x0]  }
0x2: {  	s5 =	rddreg [dreg:$0x1]  }
0x3: {  	s0 =	srdreg.scid;
	s1 =	stileid.u32  }
0x4: {  	s3 =	simm.s32 $0x0;
	s0 =	sand.u32 $0x1, s0;
	s1 =	sshll.u32 s1, $0x6  }
0x5: {  	[smem:$0x7FF] =	sst s3;
	s29 =	sadd.s32 $0x100, s5;
	s30 =	sadd.s32 $0x200, s5  }
0x6: {  	s2 =	sshll.u32 s0, $0x5;
	_ =	strace $0x80000047;
	[dreg:$0x10] =	wrdreg s29  }
0x7: {  	s0 =	ssub.s32 $0x2, s0;
	[dreg:$0x11] =	wrdreg s30;
	s1 =	sor.u32 s2, s1  }
0x8: {  	s25 =	sshrl.u32 s0, $0x1;
	s2 =	sshrl.u32 s1, $0x3;
	s1 =	sor.u32 $0xC00, s1  }
0x9: {  	s0 =	ssub.s32 s0, s25;
	s4 =	sadd.s32 s4, s2;
	[dreg:$0x12] =	wrdreg s1  }
0xa: {  	s0 =	smax.u32 s0, $0x1;
	[dreg:$0xd] =	wrdreg s4  }
0xb: {  	s26 =	sadd.s32 $0x80, s4;
	[dreg:$0x14] =	wrdreg s0  }
0xc: {  	v2 =	vlaneseq.u32;
	s31 =	smul.u32 $0x1800, s2;
	s28 =	sadd.s32 $0x100, s4;
	[dreg:$0xe] =	wrdreg s26  }
0xd: {  	vm0 =	vmmov $0xffff;
	v1 =	vshrl.u32 v2, $0x3;
	[dreg:$0xf] =	wrdreg s28  }
0xe: {  	v0 =	vand.u32 $0x7, v2;
	v2 =	vor.u32 $0x8, v2;
	v1 =	vmul.u32 $0x8, v1;
	s2 =	simm.s32 $0x0;
	[dreg:$0x13] =	wrdreg s31  }
.LBB2_1:
0xf: {  	[dreg:$0x15] =	wrdreg s2  }
0x10: {  	s0 =	rddreg [dreg:$0x2]  }
0x11: {  	s1 =	simm.s32 $0x0;
	s23 =	simm.s32 $0x12080;
	s24 =	simm.s32 $0xA  }
0x12: {  	[tilespmem:s23], [sflag:$0xA] =	stream.linear.gather [hbm4b:s0+s1], $0x300, $0x38;
	[tilespmem:$0x12980] =	vst v63  }
0x13: {  	_ =	swait.ge [sflag:s24], $0x300  }
0x14: {  	[sflag:s24] =	ssyncset.done $0x0  }
0x15: {  	[sflag:s24] =	ssyncadd.s32 $0xFFFFFD00  }
0x16: {  	s3 =	simm.s32 $0x12380;
	s25 =	rddreg [dreg:$0x3]  }
0x17: {  	[tilespmem:s3], [sflag:$0xA] =	stream.linear.gather [hbm4b:s25+s1], $0x300, $0x38;
	[tilespmem:$0x12980] =	vst v63  }
0x18: {  	_ =	swait.ge [sflag:s24], $0x300  }
0x19: {  	[sflag:s24] =	ssyncset.done $0x0  }
0x1a: {  	[sflag:s24] =	ssyncadd.s32 $0xFFFFFD00  }
0x1b: {  	s28 =	simm.s32 $0x12680;
	s26 =	rddreg [dreg:$0x4]  }
0x1c: {  	[tilespmem:s28], [sflag:$0xA] =	stream.linear.gather [hbm4b:s26+s1], $0x300, $0x38;
	[tilespmem:$0x12980] =	vst v63  }
0x1d: {  	_ =	swait.ge [sflag:s24], $0x300  }
0x1e: {  	[sflag:s24] =	ssyncset.done $0x0  }
0x1f: {  	s29 =	rddreg [dreg:$0xd];
	[sflag:s24] =	ssyncadd.s32 $0xFFFFFD00  }
0x20: {  	[tilespmem:s1], [sflag:$0xA] =	stream.linear.gather [hbm4b:s29+s1], $0x20, $0x38;
	[tilespmem:$0x12980] =	vst v63  }
0x21: {  	_ =	swait.ge [sflag:s24], $0x20  }
0x22: {  	[sflag:s24] =	ssyncset.done $0x0  }
0x23: {  	s31 =	simm.s32 $0x20;
	s30 =	rddreg [dreg:$0xe];
	[sflag:s24] =	ssyncadd.s32 $0xFFFFFFE0  }
0x24: {  	[tilespmem:s31], [sflag:$0xA] =	stream.linear.gather [hbm4b:s30+s1], $0x20, $0x38;
	[tilespmem:$0x12980] =	vst v63  }
0x25: {  	_ =	swait.ge [sflag:s24], $0x20  }
0x26: {  	[sflag:s24] =	ssyncset.done $0x0  }
0x27: {  	s4 =	simm.s32 $0x40;
	s3 =	rddreg [dreg:$0xf];
	[sflag:s24] =	ssyncadd.s32 $0xFFFFFFE0  }
0x28: {  	[tilespmem:s4], [sflag:$0xA] =	stream.linear.gather [hbm4b:s3+s1], $0x20, $0x38;
	[tilespmem:$0x12980] =	vst v63  }
0x29: {  	_ =	swait.ge [sflag:s24], $0x20  }
0x2a: {  	[sflag:s24] =	ssyncset.done $0x0  }
0x2b: {  	[sflag:s24] =	ssyncadd.s32 $0xFFFFFFE0  }
0x2c: {  	v3 =	vld [tilespmem:$0x0];
	_ =	sdelay $0x4  }
0x2d: {  	v4 =	vshrl.u32 v3, $0x3  }
0x2e: {  	v4 =	vmul.u32 $0x30, v4  }
0x2f: {  	v3 =	vand.u32 $0x7, v3  }
0x30: {  	v3 =	vor.u32 v3, v4  }
0x31: {  	v4 =	vperm.xlane v3, v0;
	_ =	sdelay $0x1  }
0x32: {  	v4 =	vadd.s32 v1, v4;
	_ =	sdelay $0x3  }
0x33: {  	s6 =	simm.s32 $0x80;
	s5 =	rddreg [dreg:$0x1];
	v3 =	vperm.xlane v3, v2  }
0x34: {  	[tilespmem:s6], [sflag:$0x1] =	stream.indirect_vreg.gather [hbm4b:s5+s1], $0x80, v4, vm0, $0xb8;
	[tilespmem:$0x12980] =	vst v63  }
0x35: {  	s8 =	simm.s32 $0x880;
	s7 =	rddreg [dreg:$0x10];
	v3 =	vadd.s32 v1, v3  }
0x36: {  	[tilespmem:s8], [sflag:$0x1] =	stream.indirect_vreg.gather [hbm4b:s7+s1], $0x80, v4, vm0, $0xb8;
	[tilespmem:$0x12980] =	vst v63  }
0x37: {  	s4 =	simm.s32 $0x1080;
	s9 =	rddreg [dreg:$0x11]  }
0x38: {  	[tilespmem:s4], [sflag:$0x1] =	stream.indirect_vreg.gather [hbm4b:s9+s1], $0x80, v4, vm0, $0xb8;
	[tilespmem:$0x12980] =	vst v63  }
0x39: {  	s10 =	simm.s32 $0x1880  }
0x3a: {  	[tilespmem:s10], [sflag:$0x1] =	stream.indirect_vreg.gather [hbm4b:s5+s1], $0x80, v3, vm0, $0xb8;
	[tilespmem:$0x12980] =	vst v63  }
0x3b: {  	s11 =	simm.s32 $0x2080  }
0x3c: {  	[tilespmem:s11], [sflag:$0x1] =	stream.indirect_vreg.gather [hbm4b:s7+s1], $0x80, v3, vm0, $0xb8;
	[tilespmem:$0x12980] =	vst v63  }
0x3d: {  	s12 =	simm.s32 $0x2880  }
0x3e: {  	[tilespmem:s12], [sflag:$0x1] =	stream.indirect_vreg.gather [hbm4b:s9+s1], $0x80, v3, vm0, $0xb8;
	[tilespmem:$0x12980] =	vst v63  }
0x3f: {  	v3 =	vld [tilespmem:$0x10];
	_ =	sdelay $0x4  }
0x40: {  	v61 =	vshrl.u32 v3, $0x3  }
0x41: {  	v4 =	vmul.u32 $0x30, v61  }
0x42: {  	v3 =	vand.u32 $0x7, v3  }
0x43: {  	v3 =	vor.u32 v3, v4  }
0x44: {  	v4 =	vperm.xlane v3, v0;
	_ =	sdelay $0x1  }
0x45: {  	v4 =	vadd.s32 v1, v4;
	_ =	sdelay $0x3  }
0x46: {  	s13 =	simm.s32 $0x3080;
	v3 =	vperm.xlane v3, v2  }
0x47: {  	[tilespmem:s13], [sflag:$0x1] =	stream.indirect_vreg.gather [hbm4b:s5+s1], $0x80, v4, vm0, $0xb8;
	[tilespmem:$0x12980] =	vst v63  }
0x48: {  	s14 =	simm.s32 $0x3880;
	v3 =	vadd.s32 v1, v3  }
0x49: {  	[tilespmem:s14], [sflag:$0x1] =	stream.indirect_vreg.gather [hbm4b:s7+s1], $0x80, v4, vm0, $0xb8;
	[tilespmem:$0x12980] =	vst v63  }
0x4a: {  	s15 =	simm.s32 $0x4080  }
0x4b: {  	[tilespmem:s15], [sflag:$0x1] =	stream.indirect_vreg.gather [hbm4b:s9+s1], $0x80, v4, vm0, $0xb8;
	[tilespmem:$0x12980] =	vst v63  }
0x4c: {  	s16 =	simm.s32 $0x4880  }
0x4d: {  	[tilespmem:s16], [sflag:$0x1] =	stream.indirect_vreg.gather [hbm4b:s5+s1], $0x80, v3, vm0, $0xb8;
	[tilespmem:$0x12980] =	vst v63  }
0x4e: {  	s17 =	simm.s32 $0x5080  }
0x4f: {  	[tilespmem:s17], [sflag:$0x1] =	stream.indirect_vreg.gather [hbm4b:s7+s1], $0x80, v3, vm0, $0xb8;
	[tilespmem:$0x12980] =	vst v63  }
0x50: {  	s18 =	simm.s32 $0x5880  }
0x51: {  	[tilespmem:s18], [sflag:$0x1] =	stream.indirect_vreg.gather [hbm4b:s9+s1], $0x80, v3, vm0, $0xb8;
	[tilespmem:$0x12980] =	vst v63  }
0x52: {  	v3 =	vld [tilespmem:$0x20];
	_ =	sdelay $0x4  }
0x53: {  	v62 =	vshrl.u32 v3, $0x3  }
0x54: {  	v4 =	vmul.u32 $0x30, v62  }
0x55: {  	v3 =	vand.u32 $0x7, v3  }
0x56: {  	v3 =	vor.u32 v3, v4  }
0x57: {  	v4 =	vperm.xlane v3, v0;
	_ =	sdelay $0x1  }
0x58: {  	v4 =	vadd.s32 v1, v4;
	_ =	sdelay $0x3  }
0x59: {  	s19 =	simm.s32 $0x6080;
	v3 =	vperm.xlane v3, v2  }
0x5a: {  	[tilespmem:s19], [sflag:$0x2] =	stream.indirect_vreg.gather [hbm4b:s5+s1], $0x80, v4, vm0, $0xb8;
	[tilespmem:$0x12980] =	vst v63  }
0x5b: {  	s20 =	simm.s32 $0x6880;
	v3 =	vadd.s32 v1, v3  }
0x5c: {  	[tilespmem:s20], [sflag:$0x2] =	stream.indirect_vreg.gather [hbm4b:s7+s1], $0x80, v4, vm0, $0xb8;
	[tilespmem:$0x12980] =	vst v63  }
0x5d: {  	s21 =	simm.s32 $0x7080  }
0x5e: {  	[tilespmem:s21], [sflag:$0x2] =	stream.indirect_vreg.gather [hbm4b:s9+s1], $0x80, v4, vm0, $0xb8;
	[tilespmem:$0x12980] =	vst v63  }
0x5f: {  	s22 =	simm.s32 $0x7880  }
0x60: {  	[tilespmem:s22], [sflag:$0x2] =	stream.indirect_vreg.gather [hbm4b:s5+s1], $0x80, v3, vm0, $0xb8;
	[tilespmem:$0x12980] =	vst v63  }
0x61: {  	s23 =	simm.s32 $0x8080  }
0x62: {  	[tilespmem:s23], [sflag:$0x2] =	stream.indirect_vreg.gather [hbm4b:s7+s1], $0x80, v3, vm0, $0xb8;
	[tilespmem:$0x12980] =	vst v63  }
0x63: {  	s24 =	simm.s32 $0x8880  }
0x64: {  	[tilespmem:s24], [sflag:$0x2] =	stream.indirect_vreg.gather [hbm4b:s9+s1], $0x80, v3, vm0, $0xb8;
	[tilespmem:$0x12980] =	vst v63  }
0x65: {  	v3 =	vld [tilespmem:$0x30];
	_ =	sdelay $0x4  }
0x66: {  	v63 =	vshrl.u32 v3, $0x3  }
0x67: {  	v4 =	vmul.u32 $0x30, v63  }
0x68: {  	v3 =	vand.u32 $0x7, v3  }
0x69: {  	v3 =	vor.u32 v3, v4  }
0x6a: {  	v4 =	vperm.xlane v3, v0;
	_ =	sdelay $0x1  }
0x6b: {  	v4 =	vadd.s32 v1, v4;
	_ =	sdelay $0x3  }
0x6c: {  	s25 =	simm.s32 $0x9080;
	v3 =	vperm.xlane v3, v2  }
0x6d: {  	[tilespmem:s25], [sflag:$0x2] =	stream.indirect_vreg.gather [hbm4b:s5+s1], $0x80, v4, vm0, $0xb8;
	[tilespmem:$0x12980] =	vst v63  }
0x6e: {  	s26 =	simm.s32 $0x9880;
	v3 =	vadd.s32 v1, v3  }
0x6f: {  	[tilespmem:s26], [sflag:$0x2] =	stream.indirect_vreg.gather [hbm4b:s7+s1], $0x80, v4, vm0, $0xb8;
	[tilespmem:$0x12980] =	vst v63  }
0x70: {  	s28 =	simm.s32 $0xA080  }
0x71: {  	[tilespmem:s28], [sflag:$0x2] =	stream.indirect_vreg.gather [hbm4b:s9+s1], $0x80, v4, vm0, $0xb8;
	[tilespmem:$0x12980] =	vst v63  }
0x72: {  	s29 =	simm.s32 $0xA880  }
0x73: {  	[tilespmem:s29], [sflag:$0x2] =	stream.indirect_vreg.gather [hbm4b:s5+s1], $0x80, v3, vm0, $0xb8;
	[tilespmem:$0x12980] =	vst v63  }
0x74: {  	s30 =	simm.s32 $0xB080  }
0x75: {  	[tilespmem:s30], [sflag:$0x2] =	stream.indirect_vreg.gather [hbm4b:s7+s1], $0x80, v3, vm0, $0xb8;
	[tilespmem:$0x12980] =	vst v63  }
0x76: {  	s31 =	simm.s32 $0xB880;
	s8 =	simm.s32 $0x0  }
0x77: {  	[tilespmem:s31], [sflag:$0x2] =	stream.indirect_vreg.gather [hbm4b:s9+s1], $0x80, v3, vm0, $0xb8;
	[tilespmem:$0x12980] =	vst v63  }
.LBB2_2:
0x78: {  	s0 =	smul.u32 $0xAB, s8;
	_ =	sdelay $0x1  }
0x79: {  	s0 =	sshrl.u32 s0, $0x9  }
0x7a: {  	s0 =	sand.u32 $0x7F, s0  }
0x7b: {  	s0 =	smul.u32 $0x3, s0;
	_ =	sdelay $0x1  }
0x7c: {  	s0 =	ssub.s32 s8, s0  }
0x7d: {  	s28 =	sadd.s32 $0x2, s8;
	s6 =	sand.u32 $0xFF, s0  }
0x7e: {  	s2 =	sand.u32 $0xFF, s28;
	s1 =	sadd.s32 $0x1, s6  }
0x7f: {  	p0 =	sgt.u32 s8, $0x2E;
	s2 =	smul.u32 $0xAB, s2;
	_ =	swait.ge [sflag:s1], $0x6000  }
0x80: {  	s3 =	sshll.u32 @!p0 s8, $0xA;
	[sflag:s1] =	ssyncset.done $0x0;
	s4 =	rddreg [dreg:$0x12]  }
0x81: {  	s29 =	sshrl.u32 s2, $0x9;
	s3 =	sadd.s32 @!p0 s4, s3;
	[sflag:s1] =	ssyncadd.s32 $0xFFFFA000  }
0x82: {  	s1 =	sshll.u32 @!p0 s6, $0x5;
	s3 =	sshrl.u32 @!p0 s3, $0x3;
	s5 =	rddreg [dreg:$0x0]  }
0x83: {  	s4 =	sadd.s32 @!p0 $0x7, s6;
	s3 =	sadd.s32 @!p0 s5, s3;
	s5 =	simm.s32 @!p0 $0x0  }
0x84: {  	[tilespmem:s1], [sflag:s4] =	stream.linear.gather @!p0 [hbm4b:s3+s5], $0x20, $0x38;
	[tilespmem:$0x12980] =	vst v63  }
0x85: {  	s1 =	smul.u32 $0x3, s29  }
0x86: {  	s30 =	smul.u32 $0x18000, s6  }
0x87: {  	[dreg:$0x16] =	wrdreg s8;
	s0 =	ssub.s32 s28, s1  }
0x88: {  	[dreg:$0x18] =	wrdreg s6;
	s31 =	sshrl.u32 s30, $0x2;
	s0 =	sand.u32 $0xFF, s0  }
0x89: {  	[dreg:$0x17] =	wrdreg s0;
	s0 =	sor.u32 $0x80, s31  }
0x8a: {  	s1 =	simm.s32 $0x0;
	[dreg:$0x19] =	wrdreg s0  }
.LBB2_3:
0x8b: {  	s0 =	sshrl.u32 s1, $0x1;
	[dreg:$0x1a] =	wrdreg s1;
	s15 =	sshll.u32 s1, $0x9  }
0x8c: {  	s2 =	rddreg [dreg:$0x19];
	s9 =	simm.s32 $0x0;
	s0 =	smul.u32 $0x6000, s0  }
0x8d: {  	s17 =	simm.s32 $0x12080;
	s1 =	sand.u32 $0x200, s15;
	s16 =	sand.u32 $0x1C00, s9  }
0x8e: {  	s5 =	sand.u32 $0x40, s9;
	s19 =	sand.u32 $0x380, s9;
	s0 =	sshra.s32 s0, $0x2  }
0x8f: {  	s13 =	sor.u32 $0x20, s5;
	s15 =	sadd.s32 $0x12080, s19;
	s0 =	sadd.s32 s0, s2  }
0x90: {  	v5 =	vld [tilespmem:s17+$0x0];
	s7 =	sor.u32 $0x10, s5;
	s22 =	sor.u32 s13, s15;
	s20 =	sadd.s32 s1, s0  }
0x91: {  	s17 =	sor.u32 $0x30, s5;
	s23 =	sor.u32 s7, s15;
	v11 =	vld [tilespmem:s22+$0x0];
	s1 =	sadd.s32 s16, s20  }
0x92: {  	s25 =	sor.u32 s17, s15;
	v18 =	vld [tilespmem:s23+$0x0];
	s8 =	sadd.s32 $0x80, s1  }
0x93: {  	v19 =	vld [tilespmem:s25+$0x0];
	s18 =	sadd.s32 s5, s8  }
0x94: {  	s4 =	sadd.s32 s5, s1;
	s3 =	sadd.s32 $0x100, s1;
	v3 =	vld [tilespmem:s18+$0x0]  }
0x95: {  	v4 =	vld [tilespmem:s4+$0x0];
	s12 =	sadd.s32 s13, s3  }
0x96: {  	s14 =	sadd.s32 s13, s1;
	s16 =	sadd.s32 $0x180, s1;
	v6 =	vld [tilespmem:s12+$0x0]  }
0x97: {  	v7 =	vld [tilespmem:s14+$0x0];
	s0 =	sadd.s32 s7, s16  }
0x98: {  	s11 =	sadd.s32 s7, s8;
	v13 =	vld [tilespmem:s0+$0x0]  }
0x99: {  	s10 =	sadd.s32 s13, s8;
	v10 =	vld [tilespmem:s11+$0x0];
	v8 =	vadd.f32 v3, v5  }
0x9a: {  	s6 =	sadd.s32 s7, s1;
	v15 =	vld [tilespmem:s10+$0x0];
	v9 =	vadd.f32 v4, v5  }
0x9b: {  	v3 =	vld [tilespmem:s6+$0x0];
	v16 =	vadd.f32 v6, v11;
	[tilespmem:s18+$0x0] =	vst v8;
	s18 =	sadd.s32 s17, s16  }
0x9c: {  	s24 =	simm.s32 $0x200;
	s9 =	simm.s32 $0x40;
	s21 =	sadd.s32 s5, s3;
	[tilespmem:s4+$0x0] =	vst v9;
	v12 =	vld [tilespmem:s18+$0x0]  }
0x9d: {  	v25 =	vadd.f32 v7, v11;
	[tilespmem:s12+$0x0] =	vst v16;
	s12 =	sadd.s32 s17, s8;
	s4 =	sadd.s32 s17, s1;
	s1 =	sand.u32 $0x1C00, s24;
	v4 =	vld [tilespmem:s21+$0x0]  }
0x9e: {  	s2 =	sadd.s32 s7, s3;
	s26 =	sadd.s32 s5, s16;
	v26 =	vld [tilespmem:s12+$0x0];
	s7 =	sadd.s32 s1, s20  }
0x9f: {  	s5 =	sand.u32 $0x40, s9;
	s16 =	sadd.s32 s13, s16;
	[tilespmem:s14+$0x0] =	vst v25;
	v17 =	vld [tilespmem:s4+$0x0];
	s1 =	sadd.s32 $0x80, s7  }
0xa0: {  	v36 =	vimm.f32 $0.0e+00;
	v28 =	vld [tilespmem:s16+$0x0];
	s19 =	sadd.s32 s5, s1  }
0xa1: {  	s22 =	simm.s32 $0x120C0;
	v27 =	vadd.f32 v10, v18;
	v24 =	vmul.f32 v8, v8;
	v8 =	vadd.f32 v8, v36;
	v6 =	vld [tilespmem:s19+$0x0]  }
0xa2: {  	v37 =	vadd.f32 v15, v11;
	s23 =	sadd.s32 s5, s7;
	v21 =	vadd.f32 v4, v5;
	v4 =	vld [tilespmem:s22+$0x0]  }
0xa3: {  	v43 =	vadd.f32 v27, v8;
	v23 =	vld [tilespmem:s23+$0x0]  }
0xa4: {  	v14 =	vld [tilespmem:s2+$0x0];
	v33 =	vadd.f32 v9, v36;
	s17 =	sadd.s32 s17, s3;
	[tilespmem:s10+$0x0] =	vst v37;
	v7 =	vadd.f32 v3, v18  }
0xa5: {  	s14 =	sor.u32 $0x20, s5;
	v31 =	vld [tilespmem:s17+$0x0];
	v48 =	vadd.f32 v37, v43;
	v3 =	vadd.f32 v12, v19;
	[tilespmem:s21+$0x0] =	vst v21  }
0xa6: {  	s8 =	sadd.s32 $0x100, s7;
	s13 =	sadd.s32 s14, s7;
	[tilespmem:s6+$0x0] =	vst v7;
	v38 =	vadd.f32 v26, v19;
	v26 =	vadd.f32 v7, v33;
	s21 =	sand.u32 $0x380, s9;
	v20 =	vld [tilespmem:s26+$0x0]  }
0xa7: {  	v29 =	vmul.f32 v25, v25;
	v39 =	vld [tilespmem:s13+$0x0];
	s6 =	sadd.s32 s14, s8;
	[tilespmem:s11+$0x0] =	vst v27;
	v17 =	vadd.f32 v17, v19;
	s24 =	sadd.s32 $0x12080, s21;
	v22 =	vadd.f32 v6, v4  }
0xa8: {  	s25 =	sadd.s32 $0x180, s7;
	v12 =	vmul.f32 v9, v9;
	v35 =	vld [tilespmem:s6+$0x0];
	v9 =	vadd.f32 v28, v11;
	[tilespmem:s18+$0x0] =	vst v3;
	s21 =	sor.u32 $0x30, s5;
	s3 =	sor.u32 s14, s24;
	v30 =	vadd.f32 v23, v4  }
0xa9: {  	v28 =	vadd.f32 v13, v18;
	v13 =	vmul.f32 v3, v3;
	v41 =	vmul.f32 v38, v38;
	s30 =	sadd.s32 s21, s25;
	v10 =	vld [tilespmem:s3+$0x0];
	[tilespmem:s19+$0x0] =	vst v22  }
0xaa: {  	v11 =	vadd.f32 v31, v19;
	v32 =	vmul.f32 v21, v21;
	v15 =	vmul.f32 v17, v17;
	s3 =	sadd.s32 s5, s8;
	v46 =	vld [tilespmem:s30+$0x0];
	[tilespmem:s23+$0x0] =	vst v30;
	s23 =	sor.u32 $0x10, s5  }
0xab: {  	[tilespmem:s4+$0x0] =	vst v17;
	v6 =	vmul.f32 v27, v27;
	v34 =	vadd.f32 v20, v5;
	v20 =	vadd.f32 v24, v36;
	s19 =	sor.u32 s23, s24;
	v27 =	vld [tilespmem:s3+$0x0]  }
0xac: {  	[tilespmem:s16+$0x0] =	vst v9;
	v44 =	vmul.f32 v28, v28;
	v19 =	vmul.f32 v11, v11;
	v33 =	vadd.f32 v21, v36;
	s29 =	sadd.s32 s23, s7;
	v8 =	vld [tilespmem:s19+$0x0]  }
0xad: {  	v21 =	vadd.f32 v25, v26;
	[tilespmem:s17+$0x0] =	vst v11;
	s11 =	sadd.s32 s23, s1;
	v6 =	vadd.f32 v6, v20;
	v20 =	vmul.f32 v37, v37;
	v47 =	vld [tilespmem:s29+$0x0]  }
0xae: {  	v43 =	vmul.f32 v9, v9;
	v23 =	vadd.f32 v14, v18;
	v40 =	vmul.f32 v34, v34;
	[tilespmem:s26+$0x0] =	vst v34;
	s26 =	sor.u32 s21, s24;
	v50 =	vld [tilespmem:s11+$0x0]  }
0xaf: {  	v49 =	vadd.f32 v32, v36;
	[tilespmem:s12+$0x0] =	vst v38;
	v31 =	vmul.f32 v30, v30;
	s22 =	sadd.s32 s23, s25;
	v18 =	vld [tilespmem:s26+$0x0];
	v32 =	vadd.f32 v20, v6  }
0xb0: {  	[tilespmem:s2+$0x0] =	vst v23;
	v63 =	vmul.f32 v23, v23;
	s24 =	sadd.s32 s14, s1;
	v20 =	vld [tilespmem:s22+$0x0];
	v6 =	vadd.f32 v35, v10;
	v40 =	vadd.f32 v40, v36  }
0xb1: {  	s16 =	sadd.s32 s21, s7;
	v5 =	vmul.f32 v16, v16;
	[tilespmem:s0+$0x0] =	vst v28;
	v42 =	vadd.f32 v34, v36;
	v35 =	vld [tilespmem:s24+$0x0];
	v14 =	vadd.f32 v27, v4  }
0xb2: {  	s31 =	simm.s32 $0x4;
	v24 =	vmul.f32 v22, v22;
	s23 =	sadd.s32 s23, s8;
	v25 =	vadd.f32 v39, v10;
	v45 =	vadd.f32 v44, v40;
	[tilespmem:s6+$0x0] =	vst v6;
	v44 =	vld [tilespmem:s16+$0x0]  }
0xb3: {  	s28 =	sadd.s32 s14, s25;
	s10 =	sadd.s32 s21, s8;
	v39 =	vadd.f32 v17, v21;
	v37 =	vadd.f32 v63, v49;
	s26 =	sadd.s32 s5, s25;
	v27 =	vld [tilespmem:s23+$0x0];
	v34 =	vmov v6;
	[tilespmem:s3+$0x0] =	vst v14  }
0xb4: {  	s2 =	simm.s32 $0x12100;
	s25 =	sadd.s32 s21, s1;
	s5 =	simm.s32 $0x400;
	v21 =	vadd.f32 v47, v8;
	v17 =	vadd.f32 v50, v8;
	[tilespmem:s13+$0x0] =	vst v25;
	v26 =	vmul.f32 v14, v14;
	v47 =	vld [tilespmem:s26+$0x0]  }
.LBB2_4:
0xb5: {  	s0 =	sand.u32 $0x1C00, s5;
	s31 =	sadd.s32 $0x4, s31;
	v49 =	vadd.f32 v30, v39;
	v50 =	vld [tilespmem:s25+$0x0];
	v40 =	vadd.f32 v46, v18;
	s9 =	sadd.s32 $0x40, s9  }
0xb6: {  	v43 =	vadd.f32 v43, v45;
	v38 =	vadd.f32 v38, v48;
	s8 =	sadd.s32 s0, s20;
	s0 =	sand.u32 $0x380, s9;
	p0 =	slt.u32 s31, $0x2C;
	[tilespmem:s29+$0x0] =	vst v21;
	v30 =	vmul.f32 v17, v17;
	v46 =	vld [tilespmem:s28+$0x0]  }
0xb7: {  	v39 =	vadd.f32 v44, v18;
	v42 =	vadd.f32 v28, v42;
	s4 =	sand.u32 $0x40, s9;
	s14 =	sadd.s32 $0x80, s8;
	s13 =	sadd.s32 $0x12080, s0;
	v44 =	vld [tilespmem:s10+$0x0];
	[tilespmem:s30+$0x0] =	vst v40  }
0xb8: {  	v36 =	vadd.f32 v12, v36;
	s18 =	sadd.s32 s4, s8;
	s15 =	sadd.s32 $0x100, s8;
	v22 =	vadd.f32 v22, v38;
	v38 =	vmul.f32 v7, v7;
	v28 =	vld [tilespmem:s2+$0x0];
	s3 =	sadd.s32 s4, s14;
	[tilespmem:s11+$0x0] =	vst v17  }
0xb9: {  	v34 =	vmul.f32 v34, v6;
	s17 =	sor.u32 $0x10, s4;
	s30 =	sor.u32 $0x20, s4;
	s7 =	sadd.s32 s4, s15;
	v45 =	vld [tilespmem:s3+$0x0];
	v47 =	vadd.f32 v47, v4;
	[tilespmem:s16+$0x0] =	vst v39;
	v4 =	vadd.f32 v41, v32  }
0xba: {  	v48 =	vadd.f32 v35, v10;
	v23 =	vadd.f32 v23, v33;
	v12 =	vmovc v31;
	s6 =	sadd.s32 $0x180, s8;
	v7 =	vmov v21;
	s12 =	sor.u32 s17, s13;
	s1 =	sadd.s32 s30, s15;
	v32 =	vld [tilespmem:s18+$0x0]  }
0xbb: {  	s29 =	sadd.s32 s17, s8;
	s0 =	sadd.s32 s30, s8;
	v31 =	vadd.f32 v38, v36;
	v21 =	vld [tilespmem:s1+$0x0];
	v24 =	vadd.f32 v24, v4;
	[tilespmem:s26+$0x0] =	vst v47;
	s26 =	sadd.s32 s4, s6  }
0xbc: {  	v33 =	vmul.f32 v25, v25;
	v16 =	vadd.f32 v16, v23;
	s19 =	sadd.s32 s17, s15;
	s16 =	sor.u32 s30, s13;
	v51 =	vadd.f32 v46, v10;
	v36 =	vld [tilespmem:s0+$0x0];
	[tilespmem:s24+$0x0] =	vst v48;
	s24 =	sadd.s32 s30, s14  }
0xbd: {  	s11 =	sadd.s32 s17, s14;
	s17 =	sadd.s32 s17, s6;
	v17 =	vadd.f32 v17, v22;
	v53 =	vmul.f32 v47, v47;
	v54 =	vadd.f32 v29, v31;
	s30 =	sadd.s32 s30, s6;
	v52 =	vld [tilespmem:s29+$0x0];
	v4 =	vmovc v28  }
0xbe: {  	v55 =	vmul.f32 v39, v39;
	v10 =	vadd.f32 v5, v37;
	v22 =	vadd.f32 v45, v4;
	v45 =	vld [tilespmem:s17+$0x0];
	[tilespmem:s28+$0x0] =	vst v51;
	s28 =	smov.u32 s30  }
0xbf: {  	v37 =	vmul.f32 v48, v48;
	v5 =	vmovc v34;
	v57 =	vadd.f32 v44, v18;
	v29 =	vadd.f32 v30, v24;
	v56 =	vld [tilespmem:s11+$0x0]  }
0xc0: {  	v19 =	vadd.f32 v19, v10;
	v30 =	vadd.f32 v32, v4;
	[tilespmem:s3+$0x0] =	vst v22;
	v24 =	vmul.f32 v22, v22;
	v58 =	vld [tilespmem:s19+$0x0];
	s3 =	sor.u32 $0x30, s4  }
0xc1: {  	v23 =	vadd.f32 v27, v8;
	v59 =	vmul.f32 v40, v40;
	v28 =	vadd.f32 v20, v8;
	v10 =	vld [tilespmem:s16+$0x0];
	s4 =	sor.u32 s3, s13;
	s16 =	sadd.s32 s3, s8;
	s8 =	sadd.s32 s3, s14;
	[tilespmem:s10+$0x0] =	vst v57  }
0xc2: {  	v9 =	vadd.f32 v9, v42;
	v38 =	vadd.f32 v50, v18;
	v31 =	vmul.f32 v30, v30;
	s10 =	sadd.s32 s3, s15;
	[tilespmem:s18+$0x0] =	vst v30;
	v20 =	vld [tilespmem:s7+$0x0]  }
0xc3: {  	v50 =	vadd.f32 v26, v19;
	v32 =	vadd.f32 v37, v29;
	v19 =	vmul.f32 v57, v57;
	s30 =	sadd.s32 s3, s6;
	v35 =	vld [tilespmem:s24+$0x0];
	[tilespmem:s23+$0x0] =	vst v23;
	s23 =	smov.u32 s19  }
0xc4: {  	v13 =	vadd.f32 v13, v43;
	v41 =	vmul.f32 v38, v38;
	v26 =	vadd.f32 v7, v49;
	v44 =	vld [tilespmem:s16+$0x0];
	[tilespmem:s25+$0x0] =	vst v38;
	s25 =	smov.u32 s8  }
0xc5: {  	v11 =	vadd.f32 v11, v16;
	v27 =	vadd.f32 v3, v9;
	v43 =	vmul.f32 v51, v51;
	v8 =	vld [tilespmem:s12+$0x0];
	[tilespmem:s22+$0x0] =	vst v28;
	s22 =	smov.u32 s17  }
0xc6: {  	v16 =	vmul.f32 v23, v23;
	v3 =	vmovc v40;
	v13 =	vadd.f32 v53, v13;
	v34 =	vadd.f32 v21, v10;
	v46 =	vld [tilespmem:s30+$0x0]  }
0xc7: {  	v42 =	vadd.f32 v47, v27;
	v29 =	vmovc v33;
	v21 =	vmul.f32 v28, v28;
	v40 =	vadd.f32 v20, v4;
	v18 =	vld [tilespmem:s4+$0x0]  }
.Ltmp0:
0xc8: {  	v9 =	vmovc v51;
	v33 =	vadd.f32 v14, v11;
	v47 =	vadd.f32 v25, v26;
	v20 =	vmov v45;
	[tilespmem:s1+$0x0] =	vst v34;
	(pc) =	sbr.rel @p0 .LBB2_4-.Ltmp0, $4  }
0xc9: {  	v48 =	vadd.f32 v48, v17;
	v45 =	vadd.f32 v21, v13;
	[tilespmem:s7+$0x0] =	vst v40;
	v26 =	vmul.f32 v40, v40  }
0xca: {  	v11 =	vmovc v57;
	v39 =	vadd.f32 v39, v47;
	v27 =	vmovc v58;
	v25 =	vadd.f32 v36, v10;
	v13 =	vmov v59  }
0xcb: {  	v37 =	vadd.f32 v16, v50;
	v16 =	vmovc v6;
	v6 =	vmovc v34;
	v14 =	vmov v40;
	v21 =	vadd.f32 v52, v8  }
0xcc: {  	s5 =	sadd.s32 $0x200, s5;
	s2 =	sadd.s32 $0x40, s2;
	v36 =	vadd.f32 v15, v54;
	v15 =	vmov v55;
	v17 =	vadd.f32 v56, v8;
	v47 =	vld [tilespmem:s26+$0x0];
	[tilespmem:s0+$0x0] =	vst v25  }
0xcd: {  	_ = 	snop  }
0xce: {  	v7 =	vmul.f32 v7, v7;
	v12 =	vadd.f32 v12, v36;
	_ =	sdelay $0x1  }
0xcf: {  	v7 =	vadd.f32 v7, v12;
	_ =	sdelay $0x1  }
0xd0: {  	v12 =	vadd.f32 v29, v7  }
0xd1: {  	v29 =	vadd.f32 v30, v39;
	v30 =	vadd.f32 v38, v48  }
0xd2: {  	v7 =	vadd.f32 v44, v18;
	v15 =	vadd.f32 v15, v12  }
0xd3: {  	v61 =	vld [tilespmem:s25+$0x0];
	v22 =	vadd.f32 v22, v30;
	v30 =	vadd.f32 v41, v32  }
0xd4: {  	v12 =	vadd.f32 v35, v10;
	v15 =	vadd.f32 v31, v15;
	v31 =	vmul.f32 v21, v21  }
0xd5: {  	v62 =	vmul.f32 v17, v17;
	v29 =	vadd.f32 v21, v29;
	v24 =	vadd.f32 v24, v30  }
0xd6: {  	v30 =	vmul.f32 v25, v25;
	v22 =	vadd.f32 v17, v22;
	v31 =	vadd.f32 v31, v15  }
0xd7: {  	v63 =	vmul.f32 v7, v7;
	v25 =	vadd.f32 v25, v29;
	v24 =	vadd.f32 v62, v24  }
0xd8: {  	v29 =	vmul.f32 v12, v12;
	v15 =	vadd.f32 v61, v18;
	v30 =	vadd.f32 v30, v31  }
0xd9: {  	v22 =	vadd.f32 v12, v22;
	v25 =	vadd.f32 v7, v25  }
0xda: {  	v24 =	vadd.f32 v29, v24;
	v29 =	vmul.f32 v15, v15;
	v30 =	vadd.f32 v63, v30  }
0xdb: {  	v22 =	vadd.f32 v15, v22;
	(xrf2) =	vadd.scan.msk.f32 $0xffff, v25  }
0xdc: {  	v24 =	vadd.f32 v29, v24;
	(xrf2) =	vadd.scan.msk.f32 $0xffff, v30  }
0xdd: {  	v23 =	vadd.f32 v23, v33;
	(xrf2) =	vadd.scan.msk.f32 $0xffff, v22  }
0xde: {  	v28 =	vadd.f32 v28, v42;
	(xrf2) =	vadd.scan.msk.f32 $0xffff, v24  }
0xdf: {  	v5 =	vadd.f32 v5, v37;
	v16 =	vadd.f32 v16, v23  }
0xe0: {  	v9 =	vadd.f32 v9, v28;
	v22 =	vld [tilespmem:s28+$0x0]  }
0xe1: {  	v5 =	vadd.f32 v19, v5;
	v11 =	vadd.f32 v11, v16  }
0xe2: {  	v4 =	vadd.f32 v47, v4;
	v3 =	vadd.f32 v3, v9;
	v24 =	vld [tilespmem:s10+$0x0]  }
0xe3: {  	v5 =	vadd.f32 v26, v5;
	v11 =	vadd.f32 v14, v11  }
0xe4: {  	v3 =	vadd.f32 v4, v3;
	v25 =	vadd.f32 v46, v18  }
0xe5: {  	v29 =	vadd.f32 v43, v45;
	v10 =	vadd.f32 v22, v10;
	v22, _, _ =	vpop (xrf2)  }
0xe6: {  	(v2sf) =	vpush v22, $0xF;
	v22 =	vadd.f32 v27, v8;
	v19, _, _ =	vpop (xrf2)  }
0xe7: {  	v18 =	vadd.f32 v24, v18;
	(v2sf) =	vpush v19, $0xF;
	v19, _, _ =	vpop (xrf2)  }
0xe8: {  	v9 =	vmul.f32 v22, v22;
	v11 =	vadd.f32 v22, v11;
	(v2sf) =	vpush v19, $0xF;
	v16, _, _ =	vpop (xrf2)  }
0xe9: {  	v8 =	vadd.f32 v20, v8;
	(v2sf) =	vpush v16, $0xF  }
0xea: {  	v5 =	vadd.f32 v9, v5;
	v16 =	vmul.f32 v34, v6;
	v6 =	vadd.f32 v6, v11  }
0xeb: {  	v14 =	vmul.f32 v4, v4;
	v13 =	vadd.f32 v13, v29;
	v3 =	vadd.f32 v8, v3  }
0xec: {  	v11 =	vmul.f32 v18, v18;
	v5 =	vadd.f32 v16, v5;
	v6 =	vadd.f32 v18, v6  }
0xed: {  	v9 =	vadd.f32 v14, v13;
	v13 =	vmul.f32 v8, v8  }
0xee: {  	v3 =	vadd.f32 v10, v3;
	v5 =	vadd.f32 v11, v5;
	(xrf2) =	vadd.scan.msk.f32 $0xffff, v6  }
0xef: {  	v14 =	vmul.f32 v10, v10;
	v9 =	vadd.f32 v13, v9  }
0xf0: {  	v3 =	vadd.f32 v25, v3;
	(xrf2) =	vadd.scan.msk.f32 $0xffff, v5  }
0xf1: {  	v9 =	vadd.f32 v14, v9;
	v11 =	vmul.f32 v25, v25  }
0xf2: {  	(xrf2) =	vadd.scan.msk.f32 $0xffff, v3  }
0xf3: {  	v5 =	vadd.f32 v11, v9;
	_ =	sdelay $0x1  }
0xf4: {  	(xrf2) =	vadd.scan.msk.f32 $0xffff, v5;
	s1 =	spop (v2sf)  }
0xf5: {  	s2 =	spop (v2sf)  }
0xf6: {  	s5 =	smul.f32 $1.302083370e-03, s1;
	s0 =	spop (v2sf)  }
0xf7: {  	v3, _, _ =	vpop (xrf2);
	s0 =	smul.f32 $1.302083370e-03, s0;
	s3 =	spop (v2sf)  }
0xf8: {  	(v2sf) =	vpush v3, $0xF;
	s3 =	smul.f32 $1.302083370e-03, s3  }
0xf9: {  	v5, _, _ =	vpop (xrf2);
	s4 =	smul.f32 s0, s0  }
0xfa: {  	(v2sf) =	vpush v5, $0xF  }
0xfb: {  	s13 =	smul.f32 s5, s5;
	v3, _, _ =	vpop (xrf2);
	s3 =	ssub.f32 s3, s4  }
0xfc: {  	s2 =	smul.f32 $1.302083370e-03, s2;
	(v2sf) =	vpush v3, $0xF  }
0xfd: {  	s12 =	sadd.f32 $9.999999960e-13, s3  }
0xfe: {  	s1 =	ssub.f32 s2, s13;
	v3, _, _ =	vpop (xrf2)  }
0xff: {  	(v2sf) =	vpush v3, $0xF;
	s3 =	sshra.s32 s12, $0x1;
	s4 =	smul.f32 $5.000000000e-01, s12  }
0x100: {  	s1 =	sadd.f32 $9.999999960e-13, s1;
	s3 =	ssub.s32 $0x5F3759DF, s3  }
0x101: {  	s6 =	smul.f32 s3, s4  }
0x102: {  	s15 =	sshra.s32 s1, $0x1;
	s1 =	smul.f32 $5.000000000e-01, s1  }
0x103: {  	s14 =	smul.f32 s3, s6;
	s6 =	ssub.s32 $0x5F3759DF, s15  }
0x104: {  	s17 =	smul.f32 s6, s1  }
0x105: {  	s2 =	ssub.f32 $1.500000000e+00, s14  }
0x106: {  	s8 =	smul.f32 s6, s17  }
0x107: {  	s18 =	spop (v2sf);
	s3 =	smul.f32 s3, s2  }
0x108: {  	s2 =	smul.f32 $1.302083370e-03, s18  }
0x109: {  	s9 =	spop (v2sf);
	s7 =	smul.f32 s3, s4  }
0x10a: {  	s8 =	ssub.f32 $1.500000000e+00, s8;
	s9 =	smul.f32 $1.302083370e-03, s9  }
0x10b: {  	s12 =	spop (v2sf);
	s13 =	smul.f32 s2, s2  }
0x10c: {  	s21 =	smul.f32 $1.302083370e-03, s12  }
0x10d: {  	s6 =	smul.f32 s6, s8  }
0x10e: {  	s19 =	spop (v2sf);
	s7 =	smul.f32 s7, s3  }
0x10f: {  	s12 =	smul.f32 $1.302083370e-03, s19;
	s9 =	ssub.f32 s9, s13  }
0x110: {  	s15 =	smul.f32 s21, s21;
	s7 =	ssub.f32 $1.500000000e+00, s7  }
0x111: {  	s8 =	sadd.f32 $9.999999960e-13, s9  }
0x112: {  	s13 =	ssub.f32 s12, s15;
	s12 =	smul.f32 s6, s1  }
0x113: {  	s31 =	smul.f32 s7, s3  }
0x114: {  	s15 =	sshra.s32 s8, $0x1;
	s14 =	sadd.f32 $9.999999960e-13, s13;
	s13 =	smul.f32 $5.000000000e-01, s8  }
0x115: {  	s7 =	ssub.s32 $0x5F3759DF, s15;
	s12 =	smul.f32 s12, s6  }
0x116: {  	s18 =	smul.f32 s7, s13  }
0x117: {  	s17 =	sshra.s32 s14, $0x1;
	s3 =	smul.f32 $5.000000000e-01, s14  }
0x118: {  	s8 =	ssub.s32 $0x5F3759DF, s17;
	s9 =	smul.f32 s7, s18  }
0x119: {  	s19 =	smul.f32 s8, s3  }
0x11a: {  	s17 =	smul.f32 s31, s4;
	s9 =	ssub.f32 $1.500000000e+00, s9  }
0x11b: {  	[tilespmem:s29+$0x0] =	vst v21;
	s15 =	smul.f32 s8, s19  }
0x11c: {  	[tilespmem:s24+$0x0] =	vst v12;
	s7 =	smul.f32 s7, s9  }
0x11d: {  	[tilespmem:s28+$0x0] =	vst v10;
	s28 =	smul.f32 s17, s31;
	s14 =	ssub.f32 $1.500000000e+00, s15  }
0x11e: {  	[tilespmem:s11+$0x0] =	vst v17;
	s15 =	smul.f32 s7, s13  }
0x11f: {  	[tilespmem:s26+$0x0] =	vst v4;
	s8 =	smul.f32 s8, s14  }
0x120: {  	[tilespmem:s30+$0x0] =	vst v25;
	s18 =	ssub.f32 $1.500000000e+00, s12;
	s19 =	smul.f32 s15, s7  }
0x121: {  	[tilespmem:s16+$0x0] =	vst v7;
	s16 =	smul.f32 s8, s3  }
0x122: {  	[tilespmem:s10+$0x0] =	vst v18;
	s4 =	smul.f32 s18, s6;
	s26 =	ssub.f32 $1.500000000e+00, s19  }
0x123: {  	s24 =	simm.s32 $0x12680;
	[tilespmem:s25+$0x0] =	vst v15;
	s25 =	simm.s32 $0x12380;
	s9 =	smul.f32 s16, s8  }
0x124: {  	[tilespmem:s23+$0x0] =	vst v22;
	s10 =	ssub.f32 $1.500000000e+00, s28;
	s15 =	simm.s32 $0x0;
	s16 =	smul.f32 s26, s7  }
0x125: {  	[tilespmem:s22+$0x0] =	vst v8;
	s23 =	sand.u32 $0x40, s15;
	s19 =	sand.u32 $0x1C00, s15;
	s18 =	ssub.f32 $1.500000000e+00, s9  }
0x126: {  	v6 =	vld [tilespmem:s24+$0x0];
	s14 =	sor.u32 $0x30, s23;
	s26 =	smul.f32 s16, s13;
	s13 =	sand.u32 $0x380, s15  }
0x127: {  	v5 =	vld [tilespmem:s25+$0x0];
	s11 =	smul.f32 s18, s8;
	s8 =	sadd.s32 s19, s20;
	s7 =	sor.u32 s13, s14  }
0x128: {  	s17 =	sadd.s32 $0x180, s8;
	v3 =	vld [tilespmem:s7+$0x12380]  }
0x129: {  	s10 =	smul.f32 s10, s31;
	s19 =	sadd.s32 $0x80, s8;
	s6 =	sadd.s32 s14, s17;
	v4 =	vld [tilespmem:s7+$0x12680]  }
0x12a: {  	s3 =	smul.f32 s11, s3;
	s18 =	sadd.s32 s23, s19;
	v9 =	vld [tilespmem:s6+$0x0]  }
0x12b: {  	v7 =	vmov s21;
	s21 =	sor.u32 $0x20, s23;
	s9 =	sadd.s32 s23, s17;
	v11 =	vld [tilespmem:s18+$0x0]  }
0x12c: {  	v12 =	vmov s10;
	s24 =	sadd.s32 $0x100, s8;
	s10 =	sadd.s32 s21, s17;
	v14 =	vld [tilespmem:s9+$0x0];
	s3 =	smul.f32 s3, s11  }
0x12d: {  	s12 =	sadd.s32 s23, s24;
	s22 =	smul.f32 s26, s16;
	v22 =	vld [tilespmem:s10+$0x0]  }
0x12e: {  	s30 =	sadd.s32 s14, s24;
	v13 =	vld [tilespmem:s12+$0x0];
	s28 =	ssub.f32 $1.500000000e+00, s3;
	s3 =	sor.u32 $0x10, s23  }
0x12f: {  	v8 =	vmov s0;
	s1 =	smul.f32 s4, s1;
	v28 =	vld [tilespmem:s30+$0x0];
	s26 =	sadd.s32 s3, s24  }
0x130: {  	s25 =	sadd.s32 s3, s17;
	s11 =	smul.f32 s28, s11;
	s28 =	ssub.f32 $1.500000000e+00, s22;
	v11 =	vsub.f32 v11, v8;
	v17 =	vld [tilespmem:s26+$0x0]  }
0x131: {  	s1 =	smul.f32 s1, s4;
	s22 =	sadd.s32 s3, s19;
	v16 =	vsub.f32 v9, v7;
	v9 =	vmov s2;
	v19 =	vld [tilespmem:s25+$0x0];
	v14 =	vsub.f32 v14, v7  }
0x132: {  	s29 =	sadd.s32 s21, s24;
	v22 =	vsub.f32 v22, v7;
	v15 =	vld [tilespmem:s22+$0x0];
	s7 =	smul.f32 s28, s16;
	v10 =	vmov s11;
	v11 =	vmul.f32 v11, v12  }
0x133: {  	v21 =	vld [tilespmem:s29+$0x0];
	v18 =	vsub.f32 v13, v9;
	s16 =	sadd.s32 s21, s19;
	v16 =	vmul.f32 v16, v10;
	v14 =	vmul.f32 v14, v10  }
0x134: {  	s28 =	ssub.f32 $1.500000000e+00, s1;
	v20 =	vld [tilespmem:s16+$0x0];
	v22 =	vmul.f32 v22, v10;
	v13 =	vmov s7;
	s7 =	sadd.s32 s14, s19;
	v11 =	vmul.f32 v11, v5  }
0x135: {  	v28 =	vsub.f32 v28, v9;
	v18 =	vmul.f32 v18, v13;
	v16 =	vmul.f32 v16, v3;
	v26 =	vld [tilespmem:s7+$0x0]  }
0x136: {  	s31 =	sadd.s32 s23, s8;
	s0 =	smul.f32 s28, s4;
	v14 =	vmul.f32 v14, v5;
	v23 =	vsub.f32 v17, v9;
	v19 =	vsub.f32 v19, v7  }
0x137: {  	v29 =	vld [tilespmem:s31+$0x0];
	s17 =	sadd.s32 s3, s8;
	v15 =	vsub.f32 v15, v8;
	v18 =	vmul.f32 v18, v5;
	v16 =	vadd.f32 v16, v4  }
0x138: {  	v25 =	vld [tilespmem:s17+$0x0];
	s19 =	sadd.s32 s21, s8;
	v27 =	vadd.f32 v11, v6;
	v11 =	vmov s0;
	v31 =	vadd.f32 v14, v6  }
0x139: {  	s14 =	sadd.s32 s14, s8;
	v24 =	vld [tilespmem:s19+$0x0];
	v17 =	vmul.f32 v15, v12;
	v15 =	vsub.f32 v20, v8;
	v30 =	vadd.f32 v18, v6;
	[tilespmem:s6+$0x0] =	vst v16  }
0x13a: {  	s8 =	sor.u32 s13, s21;
	[tilespmem:s18+$0x0] =	vst v27;
	v18 =	vmul.f32 v23, v13;
	v16 =	vsub.f32 v21, v9;
	v23 =	vld [tilespmem:s14+$0x0];
	v27 =	vsub.f32 v26, v8  }
0x13b: {  	s2 =	simm.s32 $0x200;
	s1 =	sor.u32 s13, s3;
	v19 =	vmul.f32 v19, v10;
	v14 =	vmov s5;
	v21 =	vmul.f32 v15, v12;
	v15 =	vld [tilespmem:s8+$0x12380];
	[tilespmem:s12+$0x0] =	vst v30  }
0x13c: {  	s0 =	simm.s32 $0x126C0;
	s5 =	simm.s32 $0x0;
	s18 =	simm.s32 $0x123C0;
	v26 =	vsub.f32 v29, v14;
	v20 =	vmul.f32 v16, v13;
	v16 =	vld [tilespmem:s1+$0x12380];
	[tilespmem:s9+$0x0] =	vst v31;
	v27 =	vmul.f32 v27, v12  }
.LBB2_6:
0x13d: {  	_ = 	snop  }
0x13e: {  	v28 =	vmul.f32 v28, v13  }
0x13f: {  	s3 =	sand.u32 $0x1C00, s2;
	v29 =	vld [tilespmem:s1+$0x12680];
	s15 =	sadd.s32 $0x40, s15;
	v26 =	vmul.f32 v26, v11;
	v27 =	vmul.f32 v27, v3  }
0x140: {  	v30 =	vld [tilespmem:s8+$0x12680];
	s4 =	sand.u32 $0x40, s15;
	s1 =	sadd.s32 s3, s20  }
0x141: {  	v31 =	vld [tilespmem:s0+$0x0];
	s6 =	sadd.s32 $0x180, s1;
	s8 =	sor.u32 $0x30, s4;
	v28 =	vmul.f32 v28, v3;
	v27 =	vadd.f32 v27, v4;
	v26 =	vmul.f32 v26, v5  }
0x142: {  	[dreg:$0xc] =	wrdreg s19;
	v32 =	vld [tilespmem:s18+$0x0];
	s3 =	sadd.s32 $0x80, s1;
	s12 =	sadd.s32 s8, s6;
	v25 =	vsub.f32 v25, v14;
	v24 =	vsub.f32 v24, v14;
	v17 =	vmul.f32 v17, v16  }
0x143: {  	[dreg:$0xb] =	wrdreg s17;
	s13 =	sadd.s32 $0x100, s1;
	s28 =	sadd.s32 s4, s3;
	v23 =	vsub.f32 v23, v14;
	v33 =	vld [tilespmem:s12+$0x0];
	v18 =	vmul.f32 v18, v16;
	v19 =	vmul.f32 v19, v16  }
0x144: {  	[dreg:$0x9] =	wrdreg s14;
	s9 =	sadd.s32 s4, s13;
	s11 =	sadd.s32 s4, s6;
	v34 =	vld [tilespmem:s28+$0x0];
	v21 =	vmul.f32 v21, v15;
	v20 =	vmul.f32 v20, v15;
	v28 =	vadd.f32 v28, v4  }
0x145: {  	[dreg:$0x8] =	wrdreg s9;
	[tilespmem:s7+$0x0] =	vst v27;
	v27 =	vld [tilespmem:s9+$0x0];
	s9 =	smov.u32 s26;
	s26 =	sand.u32 $0x380, s15;
	v25 =	vmul.f32 v25, v11;
	v23 =	vmul.f32 v23, v11;
	v18 =	vadd.f32 v18, v29  }
0x146: {  	s5 =	sadd.s32 $0x4, s5;
	s14 =	smov.u32 s16;
	v22 =	vmul.f32 v22, v15;
	v24 =	vmul.f32 v24, v11;
	v17 =	vadd.f32 v17, v29;
	s16 =	sor.u32 s26, s8;
	[tilespmem:s30+$0x0] =	vst v28;
	v28 =	vld [tilespmem:s11+$0x0]  }
0x147: {  	s23 =	smov.u32 s20;
	s24 =	smov.u32 s10;
	s17 =	sor.u32 $0x10, s4;
	v16 =	vmul.f32 v25, v16;
	v25 =	vadd.f32 v19, v29;
	[tilespmem:s9+$0x0] =	vst v18;
	v18 =	vmul.f32 v23, v3;
	v3 =	vld [tilespmem:s16+$0x12380]  }
0x148: {  	s19 =	sor.u32 $0x20, s4;
	s20 =	sadd.s32 s17, s3;
	[dreg:$0x7] =	wrdreg s28;
	v6 =	vadd.f32 v26, v6;
	[tilespmem:s22+$0x0] =	vst v17;
	v15 =	vmul.f32 v24, v15;
	v17 =	vadd.f32 v21, v30;
	v24 =	vld [tilespmem:s16+$0x12680]  }
0x149: {  	s21 =	sadd.s32 s17, s13;
	s10 =	sadd.s32 s19, s3;
	[dreg:$0xa] =	wrdreg s11;
	v20 =	vadd.f32 v20, v30;
	v19 =	vld [tilespmem:s20+$0x0];
	v21 =	vsub.f32 v33, v7;
	[tilespmem:s25+$0x0] =	vst v25  }
0x14a: {  	s28 =	sadd.s32 s17, s6;
	s6 =	sadd.s32 s19, s6;
	s7 =	sadd.s32 s8, s3;
	v23 =	vsub.f32 v34, v8;
	[tilespmem:s14+$0x0] =	vst v17;
	v17 =	vadd.f32 v22, v30;
	v25 =	vld [tilespmem:s21+$0x0]  }
0x14b: {  	s11 =	sadd.s32 s19, s13;
	s30 =	sadd.s32 s8, s13;
	[tilespmem:s31+$0x0] =	vst v6;
	v22 =	vsub.f32 v27, v9;
	s25 =	smov.u32 s28;
	v16 =	vadd.f32 v16, v29;
	v29 =	vld [tilespmem:s7+$0x0];
	v21 =	vmul.f32 v21, v10  }
0x14c: {  	v5 =	vmov v32;
	s13 =	sadd.s32 s17, s1;
	s22 =	sadd.s32 s4, s1;
	[tilespmem:s29+$0x0] =	vst v20;
	s16 =	smov.u32 s10;
	v20 =	vmul.f32 v23, v12;
	v26 =	vld [tilespmem:s25+$0x0];
	v23 =	vsub.f32 v28, v7  }
0x14d: {  	s4 =	sadd.s32 s19, s1;
	s9 =	sadd.s32 s8, s1;
	s10 =	smov.u32 s6;
	v30 =	vadd.f32 v15, v30;
	[tilespmem:s24+$0x0] =	vst v17;
	v17 =	vmul.f32 v22, v13;
	v22 =	vld [tilespmem:s16+$0x0];
	v21 =	vmul.f32 v21, v3  }
0x14e: {  	s1 =	sor.u32 s26, s17;
	s29 =	smov.u32 s11;
	s17 =	rddreg [dreg:$0xb];
	v6 =	vmovc v31;
	v28 =	vadd.f32 v18, v4;
	v15 =	vmul.f32 v20, v5;
	v27 =	vld [tilespmem:s10+$0x0];
	v20 =	vmul.f32 v23, v10  }
0x14f: {  	s8 =	sor.u32 s26, s19;
	s19 =	rddreg [dreg:$0xc];
	s31 =	smov.u32 s22;
	[tilespmem:s17+$0x0] =	vst v16;
	v19 =	vsub.f32 v19, v8;
	v23 =	vld [tilespmem:s29+$0x0];
	v16 =	vmul.f32 v17, v5;
	v21 =	vadd.f32 v21, v24  }
0x150: {  	p0 =	slt.u32 s5, $0x2C;
	s26 =	smov.u32 s21;
	s14 =	smov.u32 s20;
	[tilespmem:s19+$0x0] =	vst v30;
	v30 =	vld [tilespmem:s31+$0x0];
	v18 =	vsub.f32 v25, v9;
	v15 =	vadd.f32 v15, v6;
	v20 =	vmul.f32 v20, v5  }
0x151: {  	s20 =	smov.u32 s23;
	s23 =	rddreg [dreg:$0x7];
	s17 =	smov.u32 s13;
	v17 =	vmul.f32 v19, v12;
	v19 =	vsub.f32 v26, v7;
	v26 =	vld [tilespmem:s30+$0x0];
	v16 =	vadd.f32 v16, v6;
	[tilespmem:s12+$0x0] =	vst v21  }
.Ltmp1:
0x152: {  	s21 =	rddreg [dreg:$0x9];
	s19 =	smov.u32 s4;
	v4 =	vmov v24;
	v25 =	vld [tilespmem:s17+$0x0];
	v21 =	vsub.f32 v22, v8;
	[tilespmem:s23+$0x0] =	vst v15;
	v15 =	vadd.f32 v20, v6;
	(pc) =	sbr.rel @p0 .LBB2_6-.Ltmp1, $4  }
0x153: {  	s24 =	rddreg [dreg:$0x8];
	[tilespmem:s21+$0x0] =	vst v28;
	v24 =	vld [tilespmem:s19+$0x0];
	v18 =	vmul.f32 v18, v13;
	v22 =	vsub.f32 v27, v7;
	v27 =	vsub.f32 v29, v8  }
0x154: {  	s22 =	smov.u32 s14;
	s14 =	smov.u32 s9;
	v19 =	vmul.f32 v19, v10;
	[tilespmem:s24+$0x0] =	vst v16;
	v16 =	vld [tilespmem:s1+$0x12380];
	v20 =	vsub.f32 v23, v9;
	v21 =	vmul.f32 v21, v12  }
0x155: {  	s28 =	rddreg [dreg:$0xa];
	v23 =	vld [tilespmem:s14+$0x0];
	v22 =	vmul.f32 v22, v10;
	v27 =	vmul.f32 v27, v12  }
0x156: {  	s2 =	sadd.s32 $0x200, s2;
	s18 =	sadd.s32 $0x40, s18;
	s0 =	sadd.s32 $0x40, s0;
	[tilespmem:s28+$0x0] =	vst v15;
	v15 =	vld [tilespmem:s8+$0x12380];
	v20 =	vmul.f32 v20, v13;
	v28 =	vsub.f32 v26, v9;
	v26 =	vsub.f32 v30, v14  }
0x157: {  	_ = 	snop  }
0x158: {  	v7 =	vld [tilespmem:s1+$0x12680];
	v8 =	vmul.f32 v28, v13  }
0x159: {  	v9 =	vmul.f32 v27, v3  }
0x15a: {  	v51 =	vmul.f32 v26, v11;
	v8 =	vmul.f32 v8, v3  }
0x15b: {  	v10 =	vld [tilespmem:s8+$0x12680];
	v12 =	vmul.f32 v17, v16;
	v9 =	vadd.f32 v9, v4  }
0x15c: {  	v5 =	vmul.f32 v51, v5;
	v8 =	vadd.f32 v8, v4  }
0x15d: {  	v50 =	vmul.f32 v18, v16;
	[tilespmem:s7+$0x0] =	vst v9;
	v12 =	vadd.f32 v12, v7  }
0x15e: {  	v49 =	vsub.f32 v25, v14;
	v21 =	vmul.f32 v21, v15;
	v5 =	vadd.f32 v5, v6;
	[tilespmem:s30+$0x0] =	vst v8  }
0x15f: {  	v19 =	vmul.f32 v19, v16;
	v17 =	vadd.f32 v50, v7;
	[tilespmem:s22+$0x0] =	vst v12  }
0x160: {  	v53 =	vmul.f32 v49, v11;
	v54 =	vmul.f32 v20, v15;
	v58 =	vadd.f32 v21, v10;
	[tilespmem:s31+$0x0] =	vst v5  }
0x161: {  	v57 =	vmul.f32 v22, v15;
	v55 =	vadd.f32 v19, v7;
	[tilespmem:s26+$0x0] =	vst v17  }
0x162: {  	v59 =	vadd.f32 v54, v10;
	v8 =	vmul.f32 v53, v16;
	[tilespmem:s16+$0x0] =	vst v58  }
0x163: {  	v61 =	vadd.f32 v57, v10;
	[tilespmem:s25+$0x0] =	vst v55  }
0x164: {  	[tilespmem:s29+$0x0] =	vst v59;
	v62 =	vadd.f32 v8, v7  }
0x165: {  	v52 =	vsub.f32 v24, v14;
	[tilespmem:s10+$0x0] =	vst v61  }
0x166: {  	v56 =	vsub.f32 v23, v14;
	[tilespmem:s17+$0x0] =	vst v62  }
0x167: {  	v9 =	vmul.f32 v52, v11;
	s31 =	rddreg [dreg:$0x1a]  }
0x168: {  	v60 =	vmul.f32 v56, v11;
	s1 =	sadd.s32 $0x1, s31  }
0x169: {  	v9 =	vmul.f32 v9, v15;
	p0 =	sne.s32 s1, $0x8  }
.Ltmp2:
0x16a: {  	v3 =	vmul.f32 v60, v3;
	(pc) =	sbr.rel @p0 .LBB2_3-.Ltmp2, $4  }
0x16b: {  	v63 =	vadd.f32 v9, v10  }
0x16c: {  	v3 =	vadd.f32 v3, v4  }
0x16d: {  	[tilespmem:s19+$0x0] =	vst v63  }
0x16e: {  	[tilespmem:s14+$0x0] =	vst v3  }
0x16f: {  	s8 =	rddreg [dreg:$0x16]  }
0x170: {  	s1 =	rddreg [dreg:$0x13];
	s0 =	smul.u32 $0xC0000, s8  }
0x171: {  	s30 =	rddreg [dreg:$0x18]  }
0x172: {  	s2 =	rddreg [dreg:$0x5];
	s31 =	simm.s32 $0x0;
	s0 =	sadd.s32 s1, s0  }
0x173: {  	s3 =	rddreg [dreg:$0x19];
	p0 =	sgt.u32 s8, $0x2F;
	s0 =	sshrl.u32 s0, $0x3  }
0x174: {  	p1 =	seq.s32 @!p0 s8, $0x0;
	s1 =	sadd.s32 $0x4, s30;
	s0 =	sadd.s32 s2, s0  }
0x175: {  	[hbm4b:s0+s31] =	stream.linear.scatter [tilespmem:s3], [sflag:s1], $0x6000, $0x38;
	[tilespmem:$0x12980] =	vst v63  }
0x176: {  	p1 =	por p1, p0;
	s3 =	rddreg [dreg:$0x17]  }
0x177: {  	s0 =	sadd.s32 @!p1 $0x4, s3  }
0x178: {  	_ =	swait.ge @!p1 [sflag:s0], $0x6000  }
0x179: {  	[sflag:s0] =	ssyncset.done @!p1 $0x0  }
0x17a: {  	[sflag:s0] =	ssyncadd.s32 @!p1 $0xFFFFA000;
	s0 =	sadd.s32 @!p1 $0x7, s3  }
0x17b: {  	_ =	swait.ge @!p1 [sflag:s0], $0x20  }
0x17c: {  	[sflag:s0] =	ssyncset.done @!p1 $0x0  }
0x17d: {  	[sflag:s0] =	ssyncadd.s32 @!p1 $0xFFFFFFE0;
	s0 =	sshll.u32 @!p0 s3, $0x5  }
0x17e: {  	v3 =	vld @!p0 [tilespmem:s0+$0x0];
	_ =	sdelay $0x4  }
0x17f: {  	v4 =	vshrl.u32 @!p0 v3, $0x3  }
0x180: {  	v4 =	vmul.u32 @!p0 $0x30, v4  }
0x181: {  	v5 =	vlaneseq.u32 @!p0;
	v3 =	vand.u32 @!p0 $0x7, v3  }
0x182: {  	v6 =	vshrl.u32 @!p0 v5, $0x3;
	v3 =	vor.u32 @!p0 v3, v4;
	v4 =	vand.u32 @!p0 $0x7, v5  }
0x183: {  	v6 =	vmul.u32 @!p0 $0x8, v6;
	v7 =	vperm.xlane @!p0 v3, v4;
	_ =	sdelay $0x1  }
0x184: {  	v7 =	vadd.s32 @!p0 v6, v7  }
0x185: {  	s1 =	smul.u32 @!p0 $0x18000, s3;
	_ =	sdelay $0x1  }
0x186: {  	s4 =	simm.s32 @!p0 $0x0;
	s1 =	sshrl.u32 @!p0 s1, $0x2;
	v5 =	vor.u32 @!p0 $0x8, v5  }
0x187: {  	vm1 =	vmmov @!p0 $0xffff;
	s2 =	sor.u32 @!p0 $0x80, s1;
	s3 =	sadd.s32 @!p0 $0x1, s3;
	s5 =	rddreg [dreg:$0x1];
	v3 =	vperm.xlane @!p0 v3, v5  }
0x188: {  	[tilespmem:s2], [sflag:s3] =	stream.indirect_vreg.gather @!p0 [hbm4b:s5+s4], $0x80, v7, vm1, $0xb8;
	[tilespmem:$0x12980] =	vst v63  }
0x189: {  	s6 =	rddreg [dreg:$0x10];
	v3 =	vadd.s32 @!p0 v6, v3;
	s2 =	sor.u32 @!p0 $0x880, s1  }
0x18a: {  	[tilespmem:s2], [sflag:s3] =	stream.indirect_vreg.gather @!p0 [hbm4b:s6+s4], $0x80, v7, vm1, $0xb8;
	[tilespmem:$0x12980] =	vst v63  }
0x18b: {  	s7 =	rddreg [dreg:$0x11];
	s2 =	sor.u32 @!p0 $0x1080, s1  }
0x18c: {  	[tilespmem:s2], [sflag:s3] =	stream.indirect_vreg.gather @!p0 [hbm4b:s7+s4], $0x80, v7, vm1, $0xb8;
	[tilespmem:$0x12980] =	vst v63  }
0x18d: {  	s2 =	sor.u32 @!p0 $0x1880, s1  }
0x18e: {  	[tilespmem:s2], [sflag:s3] =	stream.indirect_vreg.gather @!p0 [hbm4b:s5+s4], $0x80, v3, vm1, $0xb8;
	[tilespmem:$0x12980] =	vst v63  }
0x18f: {  	s2 =	sadd.s32 @!p0 $0x2080, s1  }
0x190: {  	[tilespmem:s2], [sflag:s3] =	stream.indirect_vreg.gather @!p0 [hbm4b:s6+s4], $0x80, v3, vm1, $0xb8;
	[tilespmem:$0x12980] =	vst v63  }
0x191: {  	s2 =	sadd.s32 @!p0 $0x2880, s1  }
0x192: {  	[tilespmem:s2], [sflag:s3] =	stream.indirect_vreg.gather @!p0 [hbm4b:s7+s4], $0x80, v3, vm1, $0xb8;
	[tilespmem:$0x12980] =	vst v63  }
0x193: {  	v3 =	vld @!p0 [tilespmem:s0+$0x10];
	_ =	sdelay $0x4  }
0x194: {  	v7 =	vshrl.u32 @!p0 v3, $0x3  }
0x195: {  	v7 =	vmul.u32 @!p0 $0x30, v7  }
0x196: {  	v3 =	vand.u32 @!p0 $0x7, v3  }
0x197: {  	v3 =	vor.u32 @!p0 v3, v7  }
0x198: {  	v4 =	vperm.xlane @!p0 v3, v4;
	_ =	sdelay $0x1  }
0x199: {  	v4 =	vadd.s32 @!p0 v6, v4;
	_ =	sdelay $0x3  }
0x19a: {  	s0 =	sadd.s32 @!p0 $0x3080, s1;
	v3 =	vperm.xlane @!p0 v3, v5  }
0x19b: {  	[tilespmem:s0], [sflag:s3] =	stream.indirect_vreg.gather @!p0 [hbm4b:s5+s4], $0x80, v4, vm1, $0xb8;
	[tilespmem:$0x12980] =	vst v63  }
0x19c: {  	v3 =	vadd.s32 @!p0 v6, v3;
	s0 =	sadd.s32 @!p0 $0x3880, s1  }
0x19d: {  	[tilespmem:s0], [sflag:s3] =	stream.indirect_vreg.gather @!p0 [hbm4b:s6+s4], $0x80, v4, vm1, $0xb8;
	[tilespmem:$0x12980] =	vst v63  }
0x19e: {  	s0 =	sadd.s32 @!p0 $0x4080, s1  }
0x19f: {  	[tilespmem:s0], [sflag:s3] =	stream.indirect_vreg.gather @!p0 [hbm4b:s7+s4], $0x80, v4, vm1, $0xb8;
	[tilespmem:$0x12980] =	vst v63  }
0x1a0: {  	s0 =	sadd.s32 @!p0 $0x4880, s1  }
0x1a1: {  	[tilespmem:s0], [sflag:s3] =	stream.indirect_vreg.gather @!p0 [hbm4b:s5+s4], $0x80, v3, vm1, $0xb8;
	[tilespmem:$0x12980] =	vst v63  }
0x1a2: {  	s0 =	sadd.s32 @!p0 $0x5080, s1  }
0x1a3: {  	[tilespmem:s0], [sflag:s3] =	stream.indirect_vreg.gather @!p0 [hbm4b:s6+s4], $0x80, v3, vm1, $0xb8;
	[tilespmem:$0x12980] =	vst v63  }
0x1a4: {  	s8 =	sadd.s32 $0x1, s8;
	s0 =	sadd.s32 @!p0 $0x5880, s1  }
0x1a5: {  	[tilespmem:s0], [sflag:s3] =	stream.indirect_vreg.gather @!p0 [hbm4b:s7+s4], $0x80, v3, vm1, $0xb8;
	[tilespmem:$0x12980] =	vst v63  }
0x1a6: {  	p0 =	sne.s32 s8, $0x32  }
.Ltmp3:
0x1a7: {  	_ = 	snop;
	(pc) =	sbr.rel @p0 .LBB2_2-.Ltmp3, $1  }
0x1a8: {  	_ =	sdelay $0x3  }
0x1a9: {  	s0 =	simm.s32 $0x6  }
0x1aa: {  	_ =	swait.ge [sflag:s0], $0x6000  }
0x1ab: {  	[sflag:s0] =	ssyncset.done $0x0  }
0x1ac: {  	s30 =	simm.s32 $0x4;
	[sflag:s0] =	ssyncadd.s32 $0xFFFFA000  }
0x1ad: {  	_ =	swait.ge [sflag:s30], $0x6000  }
0x1ae: {  	[sflag:s30] =	ssyncset.done $0x0  }
0x1af: {  	s1 =	simm.s32 $0x5;
	[sflag:s30] =	ssyncadd.s32 $0xFFFFA000  }
0x1b0: {  	_ =	swait.ge [sflag:s1], $0x6000  }
0x1b1: {  	s2 =	rddreg [dreg:$0x15]  }
0x1b2: {  	s31 =	rddreg [dreg:$0x14];
	s2 =	sadd.s32 $0x1, s2  }
0x1b3: {  	p0 =	sne.s32 s2, s31  }
.Ltmp4:
0x1b4: {  	_ = 	snop;
	(pc) =	sbr.rel @p0 .LBB2_1-.Ltmp4, $3  }
0x1b5: {  	_ =	sdelay $0x1  }
0x1b6: {  	[sflag:s1] =	ssyncset.done $0x0  }
0x1b7: {  	[sflag:s1] =	ssyncadd.s32 $0xFFFFA000  }
0x1b8: {  	_ =	sfence.sel $0x180000  }
0x1b9: {  	[bflag:$0x0] =	sbarrier.arrive $0xFFFF  }
0x1ba: {  	_ =	strace $0x90000047  }
0x1bb: {  	s0 =	stileid.u32;
	[bflag:$0x2] =	sbarrier.arrive $0xFFFF  }
0x1bc: {  	p0 =	sne.s32 s0, $0x0;
	s0 =	rddreg [dreg:$0x6]  }
0x1bd: {  	s0 =	sadd.s32 @!p0 $0x100000, s0  }
0x1be: {  	[sflag:s0] =	ssyncadd.tile.s32 @!p0 $0x1;
	_ =	shalt  }
.Lfunc_end2:
_tile_overlayer_lowered:
.L_overlay_start_2:
0x1bf: {  	(tag) =	ssettag $0x2  }
0x1c0: {  	s0 =	rddreg [dreg:$0x0];
	s2 =	stileid.u32  }
0x1c1: {  	s1 =	rddreg [dreg:$0x1];
	p0 =	sne.s32 s2, $0x0  }
0x1c2: {  	s3 =	rddreg [dreg:$0x2];
	[bflag:$0x3] =	sbarrier.arrive $0xFFFF;
	s2 =	simm.s32 @!p0 $0x1C0A  }
0x1c3: {  	[timem:s3], [sflag:s2] =	dma.local @!p0 [hbm:s0], s1  }
0x1c4: {  	s0 =	simm.s32 @!p0 $0xA  }
0x1c5: {  	_ =	swait.ge @!p0 [sflag:s0], s1  }
0x1c6: {  	s1 =	ssub.s32 @!p0 $0x0, s1;
	[sflag:s0] =	ssyncset.done @!p0 $0x0  }
0x1c7: {  	[sflag:s0] =	ssyncadd.s32 @!p0 s1  }
0x1c8: {  	[bflag:$0x3] =	sbarrier.arrive $0xFFFF  }
0x1c9: {  	_ =	shalt  }

</sc_bundles>
